<compile_context>
chip_gen: v7x
topology: tpu7x:2x2x1
jax: 0.10.2.dev20260603
libtpu: 0.0.44.dev20260713+nightly
codegen_flags: <defaults>
</compile_context>

<pallas_src>
import jax
import jax.numpy as jnp
from jax import lax
from jax.experimental import pallas as pl
from jax.experimental.pallas import tpu as pltpu
from jax.experimental.pallas import tpu_sc as plsc

N = 10000
E = 320000
D = 128
H = 128
L = 3
EPS = 1e-30
ALPHA = 0.5

NC = 2
NS = 16
NW = NC * NS
NOUT = 10112
CHUNK = 128
EPT = E // NW
NFC = EPT // CHUNK
REM = EPT - NFC * CHUNK
ZROWS = NOUT // NS
ZR = 32

_mesh = plsc.VectorSubcoreMesh(core_axis_name="c", subcore_axis_name="s")


def _segsum_body(eh_hbm, src_hbm, dst_hbm, z_hbm, out_hbm,
                 table, sidx3, dstA, dstB, dstC, rowsA, rowsB, rowsC,
                 dstt, gsA, gsB, gsC, ssA, ssB, ssC):
    cid = lax.axis_index("c")
    sid = lax.axis_index("s")
    wid = sid * NC + cid
    ebase = wid * EPT
    zbase = sid * ZROWS

    pltpu.sync_copy(z_hbm, table.at[pl.ds(zbase, ZROWS)])

    plsc.subcore_barrier()

    def _triple(i, _):
        off = ebase + (i * 3) * CHUNK
        pltpu.sync_copy(src_hbm.at[pl.ds(off, 3 * CHUNK)], sidx3)
        pltpu.sync_copy(dst_hbm.at[pl.ds(off, CHUNK)], dstA)
        dA = pltpu.async_copy(eh_hbm.at[sidx3.at[pl.ds(0, CHUNK)]],
                              rowsA, gsA)
        pltpu.sync_copy(dst_hbm.at[pl.ds(off + CHUNK, CHUNK)], dstB)
        dB = pltpu.async_copy(eh_hbm.at[sidx3.at[pl.ds(CHUNK, CHUNK)]],
                              rowsB, gsB)
        pltpu.sync_copy(dst_hbm.at[pl.ds(off + 2 * CHUNK, CHUNK)], dstC)
        dC = pltpu.async_copy(eh_hbm.at[sidx3.at[pl.ds(2 * CHUNK, CHUNK)]],
                              rowsC, gsC)
        dA.wait()
        sA = pltpu.async_copy(rowsA, table.at[dstA], ssA, add=True)
        dB.wait()
        sB = pltpu.async_copy(rowsB, table.at[dstB], ssB, add=True)
        dC.wait()
        sC = pltpu.async_copy(rowsC, table.at[dstC], ssC, add=True)
        sA.wait()
        sB.wait()
        sC.wait()
        return 0

    lax.fori_loop(0, NFC // 3, _triple, 0)

    toff = ebase + NFC * CHUNK
    pltpu.sync_copy(src_hbm.at[pl.ds(toff, REM)], sidx3.at[pl.ds(0, REM)])
    pltpu.sync_copy(dst_hbm.at[pl.ds(toff, REM)], dstt)
    pltpu.async_copy(eh_hbm.at[sidx3.at[pl.ds(0, REM)]],
                     rowsA.at[pl.ds(0, REM)], gsA).wait()
    pltpu.sync_copy(rowsA.at[pl.ds(0, REM)], table.at[dstt], add=True)

    plsc.subcore_barrier()

    pltpu.sync_copy(table.at[pl.ds(zbase, ZROWS)],
                    out_hbm.at[cid, pl.ds(zbase, ZROWS)])


_segsum = pl.kernel(
    _segsum_body,
    out_type=jax.ShapeDtypeStruct((NC, NOUT, H), jnp.float32),
    mesh=_mesh,
    scratch_types=[
        pltpu.VMEM_SHARED((NOUT, H), jnp.float32),
        pltpu.VMEM((3 * CHUNK,), jnp.int32),
        pltpu.VMEM((CHUNK,), jnp.int32),
        pltpu.VMEM((CHUNK,), jnp.int32),
        pltpu.VMEM((CHUNK,), jnp.int32),
        pltpu.VMEM((CHUNK, H), jnp.float32),
        pltpu.VMEM((CHUNK, H), jnp.float32),
        pltpu.VMEM((CHUNK, H), jnp.float32),
        pltpu.VMEM((REM,), jnp.int32),
        pltpu.SemaphoreType.DMA,
        pltpu.SemaphoreType.DMA,
        pltpu.SemaphoreType.DMA,
        pltpu.SemaphoreType.DMA,
        pltpu.SemaphoreType.DMA,
        pltpu.SemaphoreType.DMA,
    ],
)


RB = 1000
_GRID = N // RB


def _proj_body(x_ref, w_ref, b_ref, h_ref, eh_ref):
    h = lax.dot_general(x_ref[...], w_ref[...], (((1,), (0,)), ((), ())),
                        precision=lax.Precision.HIGHEST,
                        preferred_element_type=jnp.float32) + b_ref[...]
    h_ref[...] = h
    eh_ref[...] = jnp.exp(h)


def _dense_body(h_ref, s0_ref, s1_ref, wt_ref, wb_ref, b_ref, g_ref, be_ref,
                hout_ref, ehout_ref):
    h = h_ref[...]
    s = s0_ref[...] + s1_ref[...]
    agg = jnp.where(s > 0, jnp.log(jnp.maximum(s, EPS)), 0.0)
    hn = (lax.dot_general(h, wt_ref[...], (((1,), (0,)), ((), ())),
                          precision=lax.Precision.HIGHEST,
                          preferred_element_type=jnp.float32)
          + lax.dot_general(agg, wb_ref[...], (((1,), (0,)), ((), ())),
                            precision=lax.Precision.HIGHEST,
                            preferred_element_type=jnp.float32)
          + b_ref[...])
    mu = jnp.mean(hn, axis=1, keepdims=True)
    var = jnp.mean((hn - mu) ** 2, axis=1, keepdims=True)
    hn = (hn - mu) / jnp.sqrt(var + 1e-5) * g_ref[...] + be_ref[...]
    hn = jnp.maximum(hn, 0.0)
    hnew = ALPHA * h + (1.0 - ALPHA) * hn
    hout_ref[...] = hnew
    ehout_ref[...] = jnp.exp(hnew)


_row_spec = pl.BlockSpec((RB, H), lambda i: (i, 0))
_w_spec = pl.BlockSpec((H, H), lambda i: (0, 0))
_v_spec = pl.BlockSpec((1, H), lambda i: (0, 0))
_out2 = (jax.ShapeDtypeStruct((N, H), jnp.float32),
         jax.ShapeDtypeStruct((N, H), jnp.float32))

_proj = pl.pallas_call(
    _proj_body,
    grid=(_GRID,),
    in_specs=[_row_spec, _w_spec, _v_spec],
    out_specs=(_row_spec, _row_spec),
    out_shape=_out2,
)

_dense = pl.pallas_call(
    _dense_body,
    grid=(_GRID,),
    in_specs=[_row_spec, _row_spec, _row_spec, _w_spec, _w_spec, _v_spec,
              _v_spec, _v_spec],
    out_specs=(_row_spec, _row_spec),
    out_shape=_out2,
)


def kernel(x, edge_src, edge_dst, W_in, b_in, LW, Lb, Lg, Lbe):
    src = edge_src.astype(jnp.int32)
    dst = edge_dst.astype(jnp.int32)

    h, eh = _proj(x, W_in, b_in.reshape(1, H))
    ztile = jnp.zeros((ZROWS, H), jnp.float32)

    for i in range(L):
        s_full = _segsum(eh, src, dst, ztile)
        h, eh = _dense(h, s_full[0, :N], s_full[1, :N], LW[i, :H], LW[i, H:],
                       Lb[i].reshape(1, H), Lg[i].reshape(1, H),
                       Lbe[i].reshape(1, H))
    return h

# --- scband reference (transcript-rebuilt; emitter-appended) ---
"""Pipeline reference for scband-graph-sageencoder-4209067950557 (READ-ONLY COPY).

The authoritative reference and input builder live on the scoring server;
editing this copy changes nothing except your own understanding.
"""

import jax, jax.numpy as jnp
import numpy as np

N = 10000
E = 320000
D = 128
H = 128
L = 3
TAU = 1.0
EPS = 1e-30
ALPHA = 0.5


def _scatter_logsumexp(src, index, dim_size, tau=1.0, eps=1e-30):
    # src: [E, D] float, index: [E] int -> [dim_size, D]
    scaled = src.astype(jnp.float32) / float(tau)
    max_val = jax.ops.segment_max(scaled, index, num_segments=dim_size)
    counts = jnp.bincount(index, length=dim_size)
    has_nbr = counts > 0
    # avoid -inf rows for empty segments
    max_val = jnp.where(has_nbr[:, None], max_val, 0.0)
    exp_val = jnp.exp(scaled - max_val[index])
    sum_exp = jax.ops.segment_sum(exp_val, index, num_segments=dim_size)
    out = float(tau) * (max_val + jnp.log(jnp.maximum(sum_exp, eps)))
    out = jnp.where(has_nbr[:, None], out, 0.0)
    return out.astype(src.dtype)


def _layer_norm(x, gamma, beta, eps=1e-5):
    mu = jnp.mean(x, axis=-1, keepdims=True)
    var = jnp.mean((x - mu) ** 2, axis=-1, keepdims=True)
    return (x - mu) / jnp.sqrt(var + eps) * gamma + beta


def setup_inputs(seed: int = 0) -> dict:
    key = jax.random.key(seed)
    ks = jax.random.split(key, 8)
    x = jax.random.normal(ks[0], (N, D), dtype=jnp.float32)
    edge_src = jax.random.randint(ks[1], (E,), 0, N)
    edge_dst = jax.random.randint(ks[2], (E,), 0, N)
    # input_proj: Linear(D -> H), stored as [D, H] for x @ W
    W_in = jax.random.normal(ks[3], (D, H), dtype=jnp.float32) * (1.0 / np.sqrt(D))
    b_in = jnp.zeros((H,), dtype=jnp.float32)
    # per-layer Linear(2H -> H), LayerNorm(H); stacked over L layers
    LW = jax.random.normal(ks[4], (L, 2 * H, H), dtype=jnp.float32) * (1.0 / np.sqrt(2 * H))
    Lb = jnp.zeros((L, H), dtype=jnp.float32)
    Lg = jnp.ones((L, H), dtype=jnp.float32)
    Lbe = jnp.zeros((L, H), dtype=jnp.float32)
    return {"x": x, "edge_src": edge_src, "edge_dst": edge_dst,
            "W_in": W_in, "b_in": b_in, "LW": LW, "Lb": Lb, "Lg": Lg, "Lbe": Lbe}


def reference(x, edge_src, edge_dst, W_in, b_in, LW, Lb, Lg, Lbe):
    h = x @ W_in + b_in
    alpha = min(max(float(ALPHA), 0.0), 1.0)
    for i in range(L):
        src_feat = h[edge_src]
        agg = _scatter_logsumexp(src_feat, edge_dst, N, tau=TAU, eps=EPS)
        cat = jnp.concatenate([h, agg], axis=-1)
        hn = cat @ LW[i] + Lb[i]
        hn = _layer_norm(hn, Lg[i], Lbe[i])
        hn = jax.nn.relu(hn)
        h = alpha * h + (1.0 - alpha) * hn
    return h

if __name__ == "__main__":
    import jax
    _d = setup_inputs()
    print(jax.jit(kernel)(*tuple(_d.values())))

</pallas_src>

<mosaic_0001>
#map = affine_map<(d0, d1) -> (0, 0)>
#map1 = affine_map<(d0, d1) -> (0)>
#map2 = affine_map<(d0, d1) -> (0, 0, 0)>
module attributes {stable_mosaic.version = 14 : i64} {
  func.func @_segsum_body(%arg0: i32, %arg1: i32, %arg2: memref<10000x128xf32, #tpu.memory_space<hbm>>, %arg3: memref<320000xi32, #tpu.memory_space<hbm>>, %arg4: memref<320000xi32, #tpu.memory_space<hbm>>, %arg5: memref<632x128xf32, #tpu.memory_space<hbm>>, %arg6: memref<2x10112x128xf32, #tpu.memory_space<hbm>>, %arg7: memref<10112x128xf32, #tpu.memory_space<vmem_shared>>, %arg8: memref<384xi32, #tpu.memory_space<vmem>>, %arg9: memref<128xi32, #tpu.memory_space<vmem>>, %arg10: memref<128xi32, #tpu.memory_space<vmem>>, %arg11: memref<128xi32, #tpu.memory_space<vmem>>, %arg12: memref<128x128xf32, #tpu.memory_space<vmem>>, %arg13: memref<128x128xf32, #tpu.memory_space<vmem>>, %arg14: memref<128x128xf32, #tpu.memory_space<vmem>>, %arg15: memref<16xi32, #tpu.memory_space<vmem>>, %arg16: memref<!tpu.dma_semaphore, #tpu.memory_space<semaphore_mem>>, %arg17: memref<!tpu.dma_semaphore, #tpu.memory_space<semaphore_mem>>, %arg18: memref<!tpu.dma_semaphore, #tpu.memory_space<semaphore_mem>>, %arg19: memref<!tpu.dma_semaphore, #tpu.memory_space<semaphore_mem>>, %arg20: memref<!tpu.dma_semaphore, #tpu.memory_space<semaphore_mem>>, %arg21: memref<!tpu.dma_semaphore, #tpu.memory_space<semaphore_mem>>) attributes {dimension_semantics = [#tpu.dimension_semantics<core_parallel>, #tpu.dimension_semantics<subcore_parallel>], iteration_bounds = array<i64: 2, 16>, scalar_prefetch = 0 : i64, scratch_operands = 15 : i64, tpu.core_type = #tpu.core_type<sc_vector_subcore>, window_params = [{transform_indices = #map}, {transform_indices = #map1}, {transform_indices = #map1}, {transform_indices = #map}, {transform_indices = #map2}]} {
    %mul3A = arith.constant 2 : i32
    %mul3A_0 = arith.muli %arg1, %mul3A : i32
    %add3A = arith.addi %mul3A_0, %arg0 : i32
    %mul3A_1 = arith.constant 10000 : i32
    %mul3A_2 = arith.muli %add3A, %mul3A_1 : i32
    %mul3A_3 = arith.constant 632 : i32
    %mul3A_4 = arith.muli %arg1, %mul3A_3 : i32
    "tpu.region"() ({
      %run_scoped3A = tpu.sem_alloc : memref<!tpu.dma_semaphore, #tpu.memory_space<semaphore_mem>>
      %dma_start3A_28 = arith.constant 0 : i32
      %dma_start3A_29 = tpu.memref_slice %arg7[%mul3A_4, %dma_start3A_28] : memref<10112x128xf32, #tpu.memory_space<vmem_shared>> -> memref<632x128xf32, #tpu.memory_space<vmem_shared>>
      tpu.enqueue_dma source(%arg5 : memref<632x128xf32, #tpu.memory_space<hbm>>) target(%dma_start3A_29 : memref<632x128xf32, #tpu.memory_space<vmem_shared>>) target_semaphore(%run_scoped3A : memref<!tpu.dma_semaphore, #tpu.memory_space<semaphore_mem>>)
      %dma_wait3A_30 = arith.constant 0 : i32
      %dma_wait3A_31 = tpu.memref_slice %arg7[%mul3A_4, %dma_wait3A_30] : memref<10112x128xf32, #tpu.memory_space<vmem_shared>> -> memref<632x128xf32, #tpu.memory_space<vmem_shared>>
      tpu.wait_dma2 semaphore(%run_scoped3A : memref<!tpu.dma_semaphore, #tpu.memory_space<semaphore_mem>>) src(%arg5 : memref<632x128xf32, #tpu.memory_space<hbm>>) dst(%dma_wait3A_31 : memref<632x128xf32, #tpu.memory_space<vmem_shared>>)
      tpu.yield
    }) : () -> ()
    %barrier3A = arith.constant 0 : index
    tpu.barrier barrier_id(%barrier3A)
    %scan3A = arith.constant 0 : i32
    %scan3A_5 = arith.constant 0 : i32
    %scan3A_6 = arith.constant 26 : i32
    %scan3A_7 = arith.addi %scan3A_5, %scan3A_6 : i32
    %scan3A_8 = arith.constant 1 : i32
    %scan3A_9 = scf.for %scan3A_28 = %scan3A_5 to %scan3A_7 step %scan3A_8 iter_args(%scan3A_29 = %scan3A) -> (i32)  : i32 {
      %mul3A_30 = arith.constant 3 : i32
      %mul3A_31 = arith.muli %scan3A_28, %mul3A_30 : i32
      %mul3A_32 = arith.constant 128 : i32
      %mul3A_33 = arith.muli %mul3A_31, %mul3A_32 : i32
      %add3A_34 = arith.addi %mul3A_2, %mul3A_33 : i32
      "tpu.region"() ({
        %run_scoped3A = tpu.sem_alloc : memref<!tpu.dma_semaphore, #tpu.memory_space<semaphore_mem>>
        %dma_start3A_88 = tpu.memref_slice %arg3[%add3A_34] : memref<320000xi32, #tpu.memory_space<hbm>> -> memref<384xi32, #tpu.memory_space<hbm>>
        %dma_start3A_89 = tpu.memref_slice %arg3[%add3A_34] : memref<320000xi32, #tpu.memory_space<hbm>> -> memref<384xi32, #tpu.memory_space<hbm>>
        tpu.enqueue_dma source(%dma_start3A_89 : memref<384xi32, #tpu.memory_space<hbm>>) target(%arg8 : memref<384xi32, #tpu.memory_space<vmem>>) target_semaphore(%run_scoped3A : memref<!tpu.dma_semaphore, #tpu.memory_space<semaphore_mem>>)
        %dma_wait3A_90 = tpu.memref_slice %arg3[%add3A_34] : memref<320000xi32, #tpu.memory_space<hbm>> -> memref<384xi32, #tpu.memory_space<hbm>>
        %dma_wait3A_91 = tpu.memref_slice %arg3[%add3A_34] : memref<320000xi32, #tpu.memory_space<hbm>> -> memref<384xi32, #tpu.memory_space<hbm>>
        tpu.wait_dma2 semaphore(%run_scoped3A : memref<!tpu.dma_semaphore, #tpu.memory_space<semaphore_mem>>) src(%dma_wait3A_91 : memref<384xi32, #tpu.memory_space<hbm>>) dst(%arg8 : memref<384xi32, #tpu.memory_space<vmem>>)
        tpu.yield
      }) : () -> ()
      "tpu.region"() ({
        %run_scoped3A = tpu.sem_alloc : memref<!tpu.dma_semaphore, #tpu.memory_space<semaphore_mem>>
        %dma_start3A_88 = tpu.memref_slice %arg4[%add3A_34] : memref<320000xi32, #tpu.memory_space<hbm>> -> memref<128xi32, #tpu.memory_space<hbm>>
        %dma_start3A_89 = tpu.memref_slice %arg4[%add3A_34] : memref<320000xi32, #tpu.memory_space<hbm>> -> memref<128xi32, #tpu.memory_space<hbm>>
        tpu.enqueue_dma source(%dma_start3A_89 : memref<128xi32, #tpu.memory_space<hbm>>) target(%arg9 : memref<128xi32, #tpu.memory_space<vmem>>) target_semaphore(%run_scoped3A : memref<!tpu.dma_semaphore, #tpu.memory_space<semaphore_mem>>)
        %dma_wait3A_90 = tpu.memref_slice %arg4[%add3A_34] : memref<320000xi32, #tpu.memory_space<hbm>> -> memref<128xi32, #tpu.memory_space<hbm>>
        %dma_wait3A_91 = tpu.memref_slice %arg4[%add3A_34] : memref<320000xi32, #tpu.memory_space<hbm>> -> memref<128xi32, #tpu.memory_space<hbm>>
        tpu.wait_dma2 semaphore(%run_scoped3A : memref<!tpu.dma_semaphore, #tpu.memory_space<semaphore_mem>>) src(%dma_wait3A_91 : memref<128xi32, #tpu.memory_space<hbm>>) dst(%arg9 : memref<128xi32, #tpu.memory_space<vmem>>)
        tpu.yield
      }) : () -> ()
      %dma_start3A_35 = arith.constant 0 : i32
      %dma_start3A_36 = tpu.memref_slice %arg8[%dma_start3A_35] : memref<384xi32, #tpu.memory_space<vmem>> -> memref<128xi32, #tpu.memory_space<vmem>>
      %dma_start3A_37 = arith.constant 0 : i32
      %dma_start3A_38 = arith.constant 0 : i32
      %dma_start3A_39 = tpu.memref_slice %arg2[%dma_start3A_37, %dma_start3A_38] : memref<10000x128xf32, #tpu.memory_space<hbm>> -> memref<10000x128xf32, #tpu.memory_space<hbm>>
      tpu.enqueue_indirect_dma source(%dma_start3A_39 : memref<10000x128xf32, #tpu.memory_space<hbm>>) target(%arg12 : memref<128x128xf32, #tpu.memory_space<vmem>>) offsets(%dma_start3A_36 : memref<128xi32, #tpu.memory_space<vmem>>) semaphore(%arg16 : memref<!tpu.dma_semaphore, #tpu.memory_space<semaphore_mem>>)
      %add3A_40 = arith.constant 128 : i32
      %add3A_41 = arith.addi %add3A_34, %add3A_40 : i32
      "tpu.region"() ({
        %run_scoped3A = tpu.sem_alloc : memref<!tpu.dma_semaphore, #tpu.memory_space<semaphore_mem>>
        %dma_start3A_88 = tpu.memref_slice %arg4[%add3A_41] : memref<320000xi32, #tpu.memory_space<hbm>> -> memref<128xi32, #tpu.memory_space<hbm>>
        %dma_start3A_89 = tpu.memref_slice %arg4[%add3A_41] : memref<320000xi32, #tpu.memory_space<hbm>> -> memref<128xi32, #tpu.memory_space<hbm>>
        tpu.enqueue_dma source(%dma_start3A_89 : memref<128xi32, #tpu.memory_space<hbm>>) target(%arg10 : memref<128xi32, #tpu.memory_space<vmem>>) target_semaphore(%run_scoped3A : memref<!tpu.dma_semaphore, #tpu.memory_space<semaphore_mem>>)
        %dma_wait3A_90 = tpu.memref_slice %arg4[%add3A_41] : memref<320000xi32, #tpu.memory_space<hbm>> -> memref<128xi32, #tpu.memory_space<hbm>>
        %dma_wait3A_91 = tpu.memref_slice %arg4[%add3A_41] : memref<320000xi32, #tpu.memory_space<hbm>> -> memref<128xi32, #tpu.memory_space<hbm>>
        tpu.wait_dma2 semaphore(%run_scoped3A : memref<!tpu.dma_semaphore, #tpu.memory_space<semaphore_mem>>) src(%dma_wait3A_91 : memref<128xi32, #tpu.memory_space<hbm>>) dst(%arg10 : memref<128xi32, #tpu.memory_space<vmem>>)
        tpu.yield
      }) : () -> ()
      %dma_start3A_42 = arith.constant 128 : i32
      %dma_start3A_43 = tpu.memref_slice %arg8[%dma_start3A_42] : memref<384xi32, #tpu.memory_space<vmem>> -> memref<128xi32, #tpu.memory_space<vmem>>
      %dma_start3A_44 = arith.constant 0 : i32
      %dma_start3A_45 = arith.constant 0 : i32
      %dma_start3A_46 = tpu.memref_slice %arg2[%dma_start3A_44, %dma_start3A_45] : memref<10000x128xf32, #tpu.memory_space<hbm>> -> memref<10000x128xf32, #tpu.memory_space<hbm>>
      tpu.enqueue_indirect_dma source(%dma_start3A_46 : memref<10000x128xf32, #tpu.memory_space<hbm>>) target(%arg13 : memref<128x128xf32, #tpu.memory_space<vmem>>) offsets(%dma_start3A_43 : memref<128xi32, #tpu.memory_space<vmem>>) semaphore(%arg17 : memref<!tpu.dma_semaphore, #tpu.memory_space<semaphore_mem>>)
      %add3A_47 = arith.constant 256 : i32
      %add3A_48 = arith.addi %add3A_34, %add3A_47 : i32
      "tpu.region"() ({
        %run_scoped3A = tpu.sem_alloc : memref<!tpu.dma_semaphore, #tpu.memory_space<semaphore_mem>>
        %dma_start3A_88 = tpu.memref_slice %arg4[%add3A_48] : memref<320000xi32, #tpu.memory_space<hbm>> -> memref<128xi32, #tpu.memory_space<hbm>>
        %dma_start3A_89 = tpu.memref_slice %arg4[%add3A_48] : memref<320000xi32, #tpu.memory_space<hbm>> -> memref<128xi32, #tpu.memory_space<hbm>>
        tpu.enqueue_dma source(%dma_start3A_89 : memref<128xi32, #tpu.memory_space<hbm>>) target(%arg11 : memref<128xi32, #tpu.memory_space<vmem>>) target_semaphore(%run_scoped3A : memref<!tpu.dma_semaphore, #tpu.memory_space<semaphore_mem>>)
        %dma_wait3A_90 = tpu.memref_slice %arg4[%add3A_48] : memref<320000xi32, #tpu.memory_space<hbm>> -> memref<128xi32, #tpu.memory_space<hbm>>
        %dma_wait3A_91 = tpu.memref_slice %arg4[%add3A_48] : memref<320000xi32, #tpu.memory_space<hbm>> -> memref<128xi32, #tpu.memory_space<hbm>>
        tpu.wait_dma2 semaphore(%run_scoped3A : memref<!tpu.dma_semaphore, #tpu.memory_space<semaphore_mem>>) src(%dma_wait3A_91 : memref<128xi32, #tpu.memory_space<hbm>>) dst(%arg11 : memref<128xi32, #tpu.memory_space<vmem>>)
        tpu.yield
      }) : () -> ()
      %dma_start3A_49 = arith.constant 256 : i32
      %dma_start3A_50 = tpu.memref_slice %arg8[%dma_start3A_49] : memref<384xi32, #tpu.memory_space<vmem>> -> memref<128xi32, #tpu.memory_space<vmem>>
      %dma_start3A_51 = arith.constant 0 : i32
      %dma_start3A_52 = arith.constant 0 : i32
      %dma_start3A_53 = tpu.memref_slice %arg2[%dma_start3A_51, %dma_start3A_52] : memref<10000x128xf32, #tpu.memory_space<hbm>> -> memref<10000x128xf32, #tpu.memory_space<hbm>>
      tpu.enqueue_indirect_dma source(%dma_start3A_53 : memref<10000x128xf32, #tpu.memory_space<hbm>>) target(%arg14 : memref<128x128xf32, #tpu.memory_space<vmem>>) offsets(%dma_start3A_50 : memref<128xi32, #tpu.memory_space<vmem>>) semaphore(%arg18 : memref<!tpu.dma_semaphore, #tpu.memory_space<semaphore_mem>>)
      %dma_wait3A_54 = arith.constant 0 : i32
      %dma_wait3A_55 = tpu.memref_slice %arg8[%dma_wait3A_54] : memref<384xi32, #tpu.memory_space<vmem>> -> memref<128xi32, #tpu.memory_space<vmem>>
      %dma_wait3A_56 = arith.constant 0 : i32
      %dma_wait3A_57 = arith.constant 0 : i32
      %dma_wait3A_58 = tpu.memref_slice %arg2[%dma_wait3A_56, %dma_wait3A_57] : memref<10000x128xf32, #tpu.memory_space<hbm>> -> memref<10000x128xf32, #tpu.memory_space<hbm>>
      tpu.wait_indirect_dma semaphore(%arg16 : memref<!tpu.dma_semaphore, #tpu.memory_space<semaphore_mem>>) src(%dma_wait3A_58 : memref<10000x128xf32, #tpu.memory_space<hbm>>) dst(%arg12 : memref<128x128xf32, #tpu.memory_space<vmem>>)
      %dma_start3A_59 = arith.constant 0 : i32
      %dma_start3A_60 = arith.constant 0 : i32
      %dma_start3A_61 = tpu.memref_slice %arg7[%dma_start3A_59, %dma_start3A_60] : memref<10112x128xf32, #tpu.memory_space<vmem_shared>> -> memref<10112x128xf32, #tpu.memory_space<vmem_shared>>
      tpu.enqueue_indirect_dma source(%arg12 : memref<128x128xf32, #tpu.memory_space<vmem>>) target(%dma_start3A_61 : memref<10112x128xf32, #tpu.memory_space<vmem_shared>>) offsets(%arg9 : memref<128xi32, #tpu.memory_space<vmem>>) semaphore(%arg19 : memref<!tpu.dma_semaphore, #tpu.memory_space<semaphore_mem>>) {add = true}
      %dma_wait3A_62 = arith.constant 128 : i32
      %dma_wait3A_63 = tpu.memref_slice %arg8[%dma_wait3A_62] : memref<384xi32, #tpu.memory_space<vmem>> -> memref<128xi32, #tpu.memory_space<vmem>>
      %dma_wait3A_64 = arith.constant 0 : i32
      %dma_wait3A_65 = arith.constant 0 : i32
      %dma_wait3A_66 = tpu.memref_slice %arg2[%dma_wait3A_64, %dma_wait3A_65] : memref<10000x128xf32, #tpu.memory_space<hbm>> -> memref<10000x128xf32, #tpu.memory_space<hbm>>
      tpu.wait_indirect_dma semaphore(%arg17 : memref<!tpu.dma_semaphore, #tpu.memory_space<semaphore_mem>>) src(%dma_wait3A_66 : memref<10000x128xf32, #tpu.memory_space<hbm>>) dst(%arg13 : memref<128x128xf32, #tpu.memory_space<vmem>>)
      %dma_start3A_67 = arith.constant 0 : i32
      %dma_start3A_68 = arith.constant 0 : i32
      %dma_start3A_69 = tpu.memref_slice %arg7[%dma_start3A_67, %dma_start3A_68] : memref<10112x128xf32, #tpu.memory_space<vmem_shared>> -> memref<10112x128xf32, #tpu.memory_space<vmem_shared>>
      tpu.enqueue_indirect_dma source(%arg13 : memref<128x128xf32, #tpu.memory_space<vmem>>) target(%dma_start3A_69 : memref<10112x128xf32, #tpu.memory_space<vmem_shared>>) offsets(%arg10 : memref<128xi32, #tpu.memory_space<vmem>>) semaphore(%arg20 : memref<!tpu.dma_semaphore, #tpu.memory_space<semaphore_mem>>) {add = true}
      %dma_wait3A_70 = arith.constant 256 : i32
      %dma_wait3A_71 = tpu.memref_slice %arg8[%dma_wait3A_70] : memref<384xi32, #tpu.memory_space<vmem>> -> memref<128xi32, #tpu.memory_space<vmem>>
      %dma_wait3A_72 = arith.constant 0 : i32
      %dma_wait3A_73 = arith.constant 0 : i32
      %dma_wait3A_74 = tpu.memref_slice %arg2[%dma_wait3A_72, %dma_wait3A_73] : memref<10000x128xf32, #tpu.memory_space<hbm>> -> memref<10000x128xf32, #tpu.memory_space<hbm>>
      tpu.wait_indirect_dma semaphore(%arg18 : memref<!tpu.dma_semaphore, #tpu.memory_space<semaphore_mem>>) src(%dma_wait3A_74 : memref<10000x128xf32, #tpu.memory_space<hbm>>) dst(%arg14 : memref<128x128xf32, #tpu.memory_space<vmem>>)
      %dma_start3A_75 = arith.constant 0 : i32
      %dma_start3A_76 = arith.constant 0 : i32
      %dma_start3A_77 = tpu.memref_slice %arg7[%dma_start3A_75, %dma_start3A_76] : memref<10112x128xf32, #tpu.memory_space<vmem_shared>> -> memref<10112x128xf32, #tpu.memory_space<vmem_shared>>
      tpu.enqueue_indirect_dma source(%arg14 : memref<128x128xf32, #tpu.memory_space<vmem>>) target(%dma_start3A_77 : memref<10112x128xf32, #tpu.memory_space<vmem_shared>>) offsets(%arg11 : memref<128xi32, #tpu.memory_space<vmem>>) semaphore(%arg21 : memref<!tpu.dma_semaphore, #tpu.memory_space<semaphore_mem>>) {add = true}
      %dma_wait3A_78 = arith.constant 0 : i32
      %dma_wait3A_79 = arith.constant 0 : i32
      %dma_wait3A_80 = tpu.memref_slice %arg7[%dma_wait3A_78, %dma_wait3A_79] : memref<10112x128xf32, #tpu.memory_space<vmem_shared>> -> memref<10112x128xf32, #tpu.memory_space<vmem_shared>>
      tpu.wait_indirect_dma semaphore(%arg19 : memref<!tpu.dma_semaphore, #tpu.memory_space<semaphore_mem>>) src(%arg12 : memref<128x128xf32, #tpu.memory_space<vmem>>) dst(%dma_wait3A_80 : memref<10112x128xf32, #tpu.memory_space<vmem_shared>>)
      %dma_wait3A_81 = arith.constant 0 : i32
      %dma_wait3A_82 = arith.constant 0 : i32
      %dma_wait3A_83 = tpu.memref_slice %arg7[%dma_wait3A_81, %dma_wait3A_82] : memref<10112x128xf32, #tpu.memory_space<vmem_shared>> -> memref<10112x128xf32, #tpu.memory_space<vmem_shared>>
      tpu.wait_indirect_dma semaphore(%arg20 : memref<!tpu.dma_semaphore, #tpu.memory_space<semaphore_mem>>) src(%arg13 : memref<128x128xf32, #tpu.memory_space<vmem>>) dst(%dma_wait3A_83 : memref<10112x128xf32, #tpu.memory_space<vmem_shared>>)
      %dma_wait3A_84 = arith.constant 0 : i32
      %dma_wait3A_85 = arith.constant 0 : i32
      %dma_wait3A_86 = tpu.memref_slice %arg7[%dma_wait3A_84, %dma_wait3A_85] : memref<10112x128xf32, #tpu.memory_space<vmem_shared>> -> memref<10112x128xf32, #tpu.memory_space<vmem_shared>>
      tpu.wait_indirect_dma semaphore(%arg21 : memref<!tpu.dma_semaphore, #tpu.memory_space<semaphore_mem>>) src(%arg14 : memref<128x128xf32, #tpu.memory_space<vmem>>) dst(%dma_wait3A_86 : memref<10112x128xf32, #tpu.memory_space<vmem_shared>>)
      %scan3A_87 = arith.constant 0 : i32
      scf.yield %scan3A_87 : i32
    }
    %scan3A_10 = arith.constant 26 : i32
    %add3A_11 = arith.constant 9984 : i32
    %add3A_12 = arith.addi %mul3A_2, %add3A_11 : i32
    "tpu.region"() ({
      %run_scoped3A = tpu.sem_alloc : memref<!tpu.dma_semaphore, #tpu.memory_space<semaphore_mem>>
      %dma_start3A_28 = arith.constant 0 : i32
      %dma_start3A_29 = tpu.memref_slice %arg8[%dma_start3A_28] : memref<384xi32, #tpu.memory_space<vmem>> -> memref<16xi32, #tpu.memory_space<vmem>>
      %dma_start3A_30 = tpu.memref_slice %arg3[%add3A_12] : memref<320000xi32, #tpu.memory_space<hbm>> -> memref<16xi32, #tpu.memory_space<hbm>>
      %dma_start3A_31 = arith.constant 0 : i32
      %dma_start3A_32 = tpu.memref_slice %arg8[%dma_start3A_31] : memref<384xi32, #tpu.memory_space<vmem>> -> memref<16xi32, #tpu.memory_space<vmem>>
      %dma_start3A_33 = tpu.memref_slice %arg3[%add3A_12] : memref<320000xi32, #tpu.memory_space<hbm>> -> memref<16xi32, #tpu.memory_space<hbm>>
      tpu.enqueue_dma source(%dma_start3A_33 : memref<16xi32, #tpu.memory_space<hbm>>) target(%dma_start3A_32 : memref<16xi32, #tpu.memory_space<vmem>>) target_semaphore(%run_scoped3A : memref<!tpu.dma_semaphore, #tpu.memory_space<semaphore_mem>>)
      %dma_wait3A_34 = arith.constant 0 : i32
      %dma_wait3A_35 = tpu.memref_slice %arg8[%dma_wait3A_34] : memref<384xi32, #tpu.memory_space<vmem>> -> memref<16xi32, #tpu.memory_space<vmem>>
      %dma_wait3A_36 = tpu.memref_slice %arg3[%add3A_12] : memref<320000xi32, #tpu.memory_space<hbm>> -> memref<16xi32, #tpu.memory_space<hbm>>
      %dma_wait3A_37 = arith.constant 0 : i32
      %dma_wait3A_38 = tpu.memref_slice %arg8[%dma_wait3A_37] : memref<384xi32, #tpu.memory_space<vmem>> -> memref<16xi32, #tpu.memory_space<vmem>>
      %dma_wait3A_39 = tpu.memref_slice %arg3[%add3A_12] : memref<320000xi32, #tpu.memory_space<hbm>> -> memref<16xi32, #tpu.memory_space<hbm>>
      tpu.wait_dma2 semaphore(%run_scoped3A : memref<!tpu.dma_semaphore, #tpu.memory_space<semaphore_mem>>) src(%dma_wait3A_39 : memref<16xi32, #tpu.memory_space<hbm>>) dst(%dma_wait3A_38 : memref<16xi32, #tpu.memory_space<vmem>>)
      tpu.yield
    }) : () -> ()
    "tpu.region"() ({
      %run_scoped3A = tpu.sem_alloc : memref<!tpu.dma_semaphore, #tpu.memory_space<semaphore_mem>>
      %dma_start3A_28 = tpu.memref_slice %arg4[%add3A_12] : memref<320000xi32, #tpu.memory_space<hbm>> -> memref<16xi32, #tpu.memory_space<hbm>>
      %dma_start3A_29 = tpu.memref_slice %arg4[%add3A_12] : memref<320000xi32, #tpu.memory_space<hbm>> -> memref<16xi32, #tpu.memory_space<hbm>>
      tpu.enqueue_dma source(%dma_start3A_29 : memref<16xi32, #tpu.memory_space<hbm>>) target(%arg15 : memref<16xi32, #tpu.memory_space<vmem>>) target_semaphore(%run_scoped3A : memref<!tpu.dma_semaphore, #tpu.memory_space<semaphore_mem>>)
      %dma_wait3A_30 = tpu.memref_slice %arg4[%add3A_12] : memref<320000xi32, #tpu.memory_space<hbm>> -> memref<16xi32, #tpu.memory_space<hbm>>
      %dma_wait3A_31 = tpu.memref_slice %arg4[%add3A_12] : memref<320000xi32, #tpu.memory_space<hbm>> -> memref<16xi32, #tpu.memory_space<hbm>>
      tpu.wait_dma2 semaphore(%run_scoped3A : memref<!tpu.dma_semaphore, #tpu.memory_space<semaphore_mem>>) src(%dma_wait3A_31 : memref<16xi32, #tpu.memory_space<hbm>>) dst(%arg15 : memref<16xi32, #tpu.memory_space<vmem>>)
      tpu.yield
    }) : () -> ()
    %dma_start3A = arith.constant 0 : i32
    %dma_start3A_13 = arith.constant 0 : i32
    %dma_start3A_14 = tpu.memref_slice %arg12[%dma_start3A, %dma_start3A_13] : memref<128x128xf32, #tpu.memory_space<vmem>> -> memref<16x128xf32, #tpu.memory_space<vmem>>
    %dma_start3A_15 = arith.constant 0 : i32
    %dma_start3A_16 = tpu.memref_slice %arg8[%dma_start3A_15] : memref<384xi32, #tpu.memory_space<vmem>> -> memref<16xi32, #tpu.memory_space<vmem>>
    %dma_start3A_17 = arith.constant 0 : i32
    %dma_start3A_18 = arith.constant 0 : i32
    %dma_start3A_19 = tpu.memref_slice %arg2[%dma_start3A_17, %dma_start3A_18] : memref<10000x128xf32, #tpu.memory_space<hbm>> -> memref<10000x128xf32, #tpu.memory_space<hbm>>
    tpu.enqueue_indirect_dma source(%dma_start3A_19 : memref<10000x128xf32, #tpu.memory_space<hbm>>) target(%dma_start3A_14 : memref<16x128xf32, #tpu.memory_space<vmem>>) offsets(%dma_start3A_16 : memref<16xi32, #tpu.memory_space<vmem>>) semaphore(%arg16 : memref<!tpu.dma_semaphore, #tpu.memory_space<semaphore_mem>>)
    %dma_wait3A = arith.constant 0 : i32
    %dma_wait3A_20 = arith.constant 0 : i32
    %dma_wait3A_21 = tpu.memref_slice %arg12[%dma_wait3A, %dma_wait3A_20] : memref<128x128xf32, #tpu.memory_space<vmem>> -> memref<16x128xf32, #tpu.memory_space<vmem>>
    %dma_wait3A_22 = arith.constant 0 : i32
    %dma_wait3A_23 = tpu.memref_slice %arg8[%dma_wait3A_22] : memref<384xi32, #tpu.memory_space<vmem>> -> memref<16xi32, #tpu.memory_space<vmem>>
    %dma_wait3A_24 = arith.constant 0 : i32
    %dma_wait3A_25 = arith.constant 0 : i32
    %dma_wait3A_26 = tpu.memref_slice %arg2[%dma_wait3A_24, %dma_wait3A_25] : memref<10000x128xf32, #tpu.memory_space<hbm>> -> memref<10000x128xf32, #tpu.memory_space<hbm>>
    tpu.wait_indirect_dma semaphore(%arg16 : memref<!tpu.dma_semaphore, #tpu.memory_space<semaphore_mem>>) src(%dma_wait3A_26 : memref<10000x128xf32, #tpu.memory_space<hbm>>) dst(%dma_wait3A_21 : memref<16x128xf32, #tpu.memory_space<vmem>>)
    "tpu.region"() ({
      %run_scoped3A = tpu.sem_alloc : memref<!tpu.dma_semaphore, #tpu.memory_space<semaphore_mem>>
      %dma_start3A_28 = arith.constant 0 : i32
      %dma_start3A_29 = arith.constant 0 : i32
      %dma_start3A_30 = tpu.memref_slice %arg12[%dma_start3A_28, %dma_start3A_29] : memref<128x128xf32, #tpu.memory_space<vmem>> -> memref<16x128xf32, #tpu.memory_space<vmem>>
      %dma_start3A_31 = arith.constant 0 : i32
      %dma_start3A_32 = arith.constant 0 : i32
      %dma_start3A_33 = tpu.memref_slice %arg7[%dma_start3A_31, %dma_start3A_32] : memref<10112x128xf32, #tpu.memory_space<vmem_shared>> -> memref<10112x128xf32, #tpu.memory_space<vmem_shared>>
      tpu.enqueue_indirect_dma source(%dma_start3A_30 : memref<16x128xf32, #tpu.memory_space<vmem>>) target(%dma_start3A_33 : memref<10112x128xf32, #tpu.memory_space<vmem_shared>>) offsets(%arg15 : memref<16xi32, #tpu.memory_space<vmem>>) semaphore(%run_scoped3A : memref<!tpu.dma_semaphore, #tpu.memory_space<semaphore_mem>>) {add = true}
      %dma_wait3A_34 = arith.constant 0 : i32
      %dma_wait3A_35 = arith.constant 0 : i32
      %dma_wait3A_36 = tpu.memref_slice %arg12[%dma_wait3A_34, %dma_wait3A_35] : memref<128x128xf32, #tpu.memory_space<vmem>> -> memref<16x128xf32, #tpu.memory_space<vmem>>
      %dma_wait3A_37 = arith.constant 0 : i32
      %dma_wait3A_38 = arith.constant 0 : i32
      %dma_wait3A_39 = tpu.memref_slice %arg7[%dma_wait3A_37, %dma_wait3A_38] : memref<10112x128xf32, #tpu.memory_space<vmem_shared>> -> memref<10112x128xf32, #tpu.memory_space<vmem_shared>>
      tpu.wait_indirect_dma semaphore(%run_scoped3A : memref<!tpu.dma_semaphore, #tpu.memory_space<semaphore_mem>>) src(%dma_wait3A_36 : memref<16x128xf32, #tpu.memory_space<vmem>>) dst(%dma_wait3A_39 : memref<10112x128xf32, #tpu.memory_space<vmem_shared>>)
      tpu.yield
    }) : () -> ()
    %barrier3A_27 = arith.constant 0 : index
    tpu.barrier barrier_id(%barrier3A_27)
    "tpu.region"() ({
      %run_scoped3A = tpu.sem_alloc : memref<!tpu.dma_semaphore, #tpu.memory_space<semaphore_mem>>
      %dma_start3A_28 = arith.constant 0 : i32
      %dma_start3A_29 = tpu.memref_slice %arg6[%arg0, %mul3A_4, %dma_start3A_28] : memref<2x10112x128xf32, #tpu.memory_space<hbm>> -> memref<1x632x128xf32, #tpu.memory_space<hbm>>
      %dma_start3A_30 = tpu.memref_squeeze %dma_start3A_29 : memref<1x632x128xf32, #tpu.memory_space<hbm>> -> memref<632x128xf32, #tpu.memory_space<hbm>>
      %dma_start3A_31 = arith.constant 0 : i32
      %dma_start3A_32 = tpu.memref_slice %arg7[%mul3A_4, %dma_start3A_31] : memref<10112x128xf32, #tpu.memory_space<vmem_shared>> -> memref<632x128xf32, #tpu.memory_space<vmem_shared>>
      tpu.enqueue_dma source(%dma_start3A_32 : memref<632x128xf32, #tpu.memory_space<vmem_shared>>) target(%dma_start3A_30 : memref<632x128xf32, #tpu.memory_space<hbm>>) target_semaphore(%run_scoped3A : memref<!tpu.dma_semaphore, #tpu.memory_space<semaphore_mem>>)
      %dma_wait3A_33 = arith.constant 0 : i32
      %dma_wait3A_34 = tpu.memref_slice %arg6[%arg0, %mul3A_4, %dma_wait3A_33] : memref<2x10112x128xf32, #tpu.memory_space<hbm>> -> memref<1x632x128xf32, #tpu.memory_space<hbm>>
      %dma_wait3A_35 = tpu.memref_squeeze %dma_wait3A_34 : memref<1x632x128xf32, #tpu.memory_space<hbm>> -> memref<632x128xf32, #tpu.memory_space<hbm>>
      %dma_wait3A_36 = arith.constant 0 : i32
      %dma_wait3A_37 = tpu.memref_slice %arg7[%mul3A_4, %dma_wait3A_36] : memref<10112x128xf32, #tpu.memory_space<vmem_shared>> -> memref<632x128xf32, #tpu.memory_space<vmem_shared>>
      tpu.wait_dma2 semaphore(%run_scoped3A : memref<!tpu.dma_semaphore, #tpu.memory_space<semaphore_mem>>) src(%dma_wait3A_37 : memref<632x128xf32, #tpu.memory_space<vmem_shared>>) dst(%dma_wait3A_35 : memref<632x128xf32, #tpu.memory_space<hbm>>)
      tpu.yield
    }) : () -> ()
    return
  }
}

#map = affine_map<(d0, d1) -> (0, 0)>
#map1 = affine_map<(d0, d1) -> (0)>
#map2 = affine_map<(d0, d1) -> (0, 0, 0)>
module attributes {stable_mosaic.version = 14 : i64} {
  func.func @_segsum_body(%arg0: i32, %arg1: i32, %arg2: memref<10000x128xf32, #tpu.memory_space<hbm>>, %arg3: memref<320000xi32, #tpu.memory_space<hbm>>, %arg4: memref<320000xi32, #tpu.memory_space<hbm>>, %arg5: memref<632x128xf32, #tpu.memory_space<hbm>>, %arg6: memref<2x10112x128xf32, #tpu.memory_space<hbm>>, %arg7: memref<10112x128xf32, #tpu.memory_space<vmem_shared>>, %arg8: memref<384xi32, #tpu.memory_space<vmem>>, %arg9: memref<128xi32, #tpu.memory_space<vmem>>, %arg10: memref<128xi32, #tpu.memory_space<vmem>>, %arg11: memref<128xi32, #tpu.memory_space<vmem>>, %arg12: memref<128x128xf32, #tpu.memory_space<vmem>>, %arg13: memref<128x128xf32, #tpu.memory_space<vmem>>, %arg14: memref<128x128xf32, #tpu.memory_space<vmem>>, %arg15: memref<16xi32, #tpu.memory_space<vmem>>, %arg16: memref<!tpu.dma_semaphore, #tpu.memory_space<semaphore_mem>>, %arg17: memref<!tpu.dma_semaphore, #tpu.memory_space<semaphore_mem>>, %arg18: memref<!tpu.dma_semaphore, #tpu.memory_space<semaphore_mem>>, %arg19: memref<!tpu.dma_semaphore, #tpu.memory_space<semaphore_mem>>, %arg20: memref<!tpu.dma_semaphore, #tpu.memory_space<semaphore_mem>>, %arg21: memref<!tpu.dma_semaphore, #tpu.memory_space<semaphore_mem>>) attributes {dimension_semantics = [#tpu.dimension_semantics<core_parallel>, #tpu.dimension_semantics<subcore_parallel>], iteration_bounds = array<i64: 2, 16>, scalar_prefetch = 0 : i64, scratch_operands = 15 : i64, tpu.core_type = #tpu.core_type<sc_vector_subcore>, window_params = [{transform_indices = #map}, {transform_indices = #map1}, {transform_indices = #map1}, {transform_indices = #map}, {transform_indices = #map2}]} {
    %mul3A = arith.constant 2 : i32
    %mul3A_0 = arith.muli %arg1, %mul3A : i32
    %add3A = arith.addi %mul3A_0, %arg0 : i32
    %mul3A_1 = arith.constant 10000 : i32
    %mul3A_2 = arith.muli %add3A, %mul3A_1 : i32
    %mul3A_3 = arith.constant 632 : i32
    %mul3A_4 = arith.muli %arg1, %mul3A_3 : i32
    "tpu.region"() ({
      %run_scoped3A = tpu.sem_alloc : memref<!tpu.dma_semaphore, #tpu.memory_space<semaphore_mem>>
      %dma_start3A_28 = arith.constant 0 : i32
      %dma_start3A_29 = tpu.memref_slice %arg7[%mul3A_4, %dma_start3A_28] : memref<10112x128xf32, #tpu.memory_space<vmem_shared>> -> memref<632x128xf32, #tpu.memory_space<vmem_shared>>
      tpu.enqueue_dma source(%arg5 : memref<632x128xf32, #tpu.memory_space<hbm>>) target(%dma_start3A_29 : memref<632x128xf32, #tpu.memory_space<vmem_shared>>) target_semaphore(%run_scoped3A : memref<!tpu.dma_semaphore, #tpu.memory_space<semaphore_mem>>)
      %dma_wait3A_30 = arith.constant 0 : i32
      %dma_wait3A_31 = tpu.memref_slice %arg7[%mul3A_4, %dma_wait3A_30] : memref<10112x128xf32, #tpu.memory_space<vmem_shared>> -> memref<632x128xf32, #tpu.memory_space<vmem_shared>>
      tpu.wait_dma2 semaphore(%run_scoped3A : memref<!tpu.dma_semaphore, #tpu.memory_space<semaphore_mem>>) src(%arg5 : memref<632x128xf32, #tpu.memory_space<hbm>>) dst(%dma_wait3A_31 : memref<632x128xf32, #tpu.memory_space<vmem_shared>>)
      tpu.yield
    }) : () -> ()
    %barrier3A = arith.constant 0 : index
    tpu.barrier barrier_id(%barrier3A)
    %scan3A = arith.constant 0 : i32
    %scan3A_5 = arith.constant 0 : i32
    %scan3A_6 = arith.constant 26 : i32
    %scan3A_7 = arith.addi %scan3A_5, %scan3A_6 : i32
    %scan3A_8 = arith.constant 1 : i32
    %scan3A_9 = scf.for %scan3A_28 = %scan3A_5 to %scan3A_7 step %scan3A_8 iter_args(%scan3A_29 = %scan3A) -> (i32)  : i32 {
      %mul3A_30 = arith.constant 3 : i32
      %mul3A_31 = arith.muli %scan3A_28, %mul3A_30 : i32
      %mul3A_32 = arith.constant 128 : i32
      %mul3A_33 = arith.muli %mul3A_31, %mul3A_32 : i32
      %add3A_34 = arith.addi %mul3A_2, %mul3A_33 : i32
      "tpu.region"() ({
        %run_scoped3A = tpu.sem_alloc : memref<!tpu.dma_semaphore, #tpu.memory_space<semaphore_mem>>
        %dma_start3A_88 = tpu.memref_slice %arg3[%add3A_34] : memref<320000xi32, #tpu.memory_space<hbm>> -> memref<384xi32, #tpu.memory_space<hbm>>
        %dma_start3A_89 = tpu.memref_slice %arg3[%add3A_34] : memref<320000xi32, #tpu.memory_space<hbm>> -> memref<384xi32, #tpu.memory_space<hbm>>
        tpu.enqueue_dma source(%dma_start3A_89 : memref<384xi32, #tpu.memory_space<hbm>>) target(%arg8 : memref<384xi32, #tpu.memory_space<vmem>>) target_semaphore(%run_scoped3A : memref<!tpu.dma_semaphore, #tpu.memory_space<semaphore_mem>>)
        %dma_wait3A_90 = tpu.memref_slice %arg3[%add3A_34] : memref<320000xi32, #tpu.memory_space<hbm>> -> memref<384xi32, #tpu.memory_space<hbm>>
        %dma_wait3A_91 = tpu.memref_slice %arg3[%add3A_34] : memref<320000xi32, #tpu.memory_space<hbm>> -> memref<384xi32, #tpu.memory_space<hbm>>
        tpu.wait_dma2 semaphore(%run_scoped3A : memref<!tpu.dma_semaphore, #tpu.memory_space<semaphore_mem>>) src(%dma_wait3A_91 : memref<384xi32, #tpu.memory_space<hbm>>) dst(%arg8 : memref<384xi32, #tpu.memory_space<vmem>>)
        tpu.yield
      }) : () -> ()
      "tpu.region"() ({
        %run_scoped3A = tpu.sem_alloc : memref<!tpu.dma_semaphore, #tpu.memory_space<semaphore_mem>>
        %dma_start3A_88 = tpu.memref_slice %arg4[%add3A_34] : memref<320000xi32, #tpu.memory_space<hbm>> -> memref<128xi32, #tpu.memory_space<hbm>>
        %dma_start3A_89 = tpu.memref_slice %arg4[%add3A_34] : memref<320000xi32, #tpu.memory_space<hbm>> -> memref<128xi32, #tpu.memory_space<hbm>>
        tpu.enqueue_dma source(%dma_start3A_89 : memref<128xi32, #tpu.memory_space<hbm>>) target(%arg9 : memref<128xi32, #tpu.memory_space<vmem>>) target_semaphore(%run_scoped3A : memref<!tpu.dma_semaphore, #tpu.memory_space<semaphore_mem>>)
        %dma_wait3A_90 = tpu.memref_slice %arg4[%add3A_34] : memref<320000xi32, #tpu.memory_space<hbm>> -> memref<128xi32, #tpu.memory_space<hbm>>
        %dma_wait3A_91 = tpu.memref_slice %arg4[%add3A_34] : memref<320000xi32, #tpu.memory_space<hbm>> -> memref<128xi32, #tpu.memory_space<hbm>>
        tpu.wait_dma2 semaphore(%run_scoped3A : memref<!tpu.dma_semaphore, #tpu.memory_space<semaphore_mem>>) src(%dma_wait3A_91 : memref<128xi32, #tpu.memory_space<hbm>>) dst(%arg9 : memref<128xi32, #tpu.memory_space<vmem>>)
        tpu.yield
      }) : () -> ()
      %dma_start3A_35 = arith.constant 0 : i32
      %dma_start3A_36 = tpu.memref_slice %arg8[%dma_start3A_35] : memref<384xi32, #tpu.memory_space<vmem>> -> memref<128xi32, #tpu.memory_space<vmem>>
      %dma_start3A_37 = arith.constant 0 : i32
      %dma_start3A_38 = arith.constant 0 : i32
      %dma_start3A_39 = tpu.memref_slice %arg2[%dma_start3A_37, %dma_start3A_38] : memref<10000x128xf32, #tpu.memory_space<hbm>> -> memref<10000x128xf32, #tpu.memory_space<hbm>>
      tpu.enqueue_indirect_dma source(%dma_start3A_39 : memref<10000x128xf32, #tpu.memory_space<hbm>>) target(%arg12 : memref<128x128xf32, #tpu.memory_space<vmem>>) offsets(%dma_start3A_36 : memref<128xi32, #tpu.memory_space<vmem>>) semaphore(%arg16 : memref<!tpu.dma_semaphore, #tpu.memory_space<semaphore_mem>>)
      %add3A_40 = arith.constant 128 : i32
      %add3A_41 = arith.addi %add3A_34, %add3A_40 : i32
      "tpu.region"() ({
        %run_scoped3A = tpu.sem_alloc : memref<!tpu.dma_semaphore, #tpu.memory_space<semaphore_mem>>
        %dma_start3A_88 = tpu.memref_slice %arg4[%add3A_41] : memref<320000xi32, #tpu.memory_space<hbm>> -> memref<128xi32, #tpu.memory_space<hbm>>
        %dma_start3A_89 = tpu.memref_slice %arg4[%add3A_41] : memref<320000xi32, #tpu.memory_space<hbm>> -> memref<128xi32, #tpu.memory_space<hbm>>
        tpu.enqueue_dma source(%dma_start3A_89 : memref<128xi32, #tpu.memory_space<hbm>>) target(%arg10 : memref<128xi32, #tpu.memory_space<vmem>>) target_semaphore(%run_scoped3A : memref<!tpu.dma_semaphore, #tpu.memory_space<semaphore_mem>>)
        %dma_wait3A_90 = tpu.memref_slice %arg4[%add3A_41] : memref<320000xi32, #tpu.memory_space<hbm>> -> memref<128xi32, #tpu.memory_space<hbm>>
        %dma_wait3A_91 = tpu.memref_slice %arg4[%add3A_41] : memref<320000xi32, #tpu.memory_space<hbm>> -> memref<128xi32, #tpu.memory_space<hbm>>
        tpu.wait_dma2 semaphore(%run_scoped3A : memref<!tpu.dma_semaphore, #tpu.memory_space<semaphore_mem>>) src(%dma_wait3A_91 : memref<128xi32, #tpu.memory_space<hbm>>) dst(%arg10 : memref<128xi32, #tpu.memory_space<vmem>>)
        tpu.yield
      }) : () -> ()
      %dma_start3A_42 = arith.constant 128 : i32
      %dma_start3A_43 = tpu.memref_slice %arg8[%dma_start3A_42] : memref<384xi32, #tpu.memory_space<vmem>> -> memref<128xi32, #tpu.memory_space<vmem>>
      %dma_start3A_44 = arith.constant 0 : i32
      %dma_start3A_45 = arith.constant 0 : i32
      %dma_start3A_46 = tpu.memref_slice %arg2[%dma_start3A_44, %dma_start3A_45] : memref<10000x128xf32, #tpu.memory_space<hbm>> -> memref<10000x128xf32, #tpu.memory_space<hbm>>
      tpu.enqueue_indirect_dma source(%dma_start3A_46 : memref<10000x128xf32, #tpu.memory_space<hbm>>) target(%arg13 : memref<128x128xf32, #tpu.memory_space<vmem>>) offsets(%dma_start3A_43 : memref<128xi32, #tpu.memory_space<vmem>>) semaphore(%arg17 : memref<!tpu.dma_semaphore, #tpu.memory_space<semaphore_mem>>)
      %add3A_47 = arith.constant 256 : i32
      %add3A_48 = arith.addi %add3A_34, %add3A_47 : i32
      "tpu.region"() ({
        %run_scoped3A = tpu.sem_alloc : memref<!tpu.dma_semaphore, #tpu.memory_space<semaphore_mem>>
        %dma_start3A_88 = tpu.memref_slice %arg4[%add3A_48] : memref<320000xi32, #tpu.memory_space<hbm>> -> memref<128xi32, #tpu.memory_space<hbm>>
        %dma_start3A_89 = tpu.memref_slice %arg4[%add3A_48] : memref<320000xi32, #tpu.memory_space<hbm>> -> memref<128xi32, #tpu.memory_space<hbm>>
        tpu.enqueue_dma source(%dma_start3A_89 : memref<128xi32, #tpu.memory_space<hbm>>) target(%arg11 : memref<128xi32, #tpu.memory_space<vmem>>) target_semaphore(%run_scoped3A : memref<!tpu.dma_semaphore, #tpu.memory_space<semaphore_mem>>)
        %dma_wait3A_90 = tpu.memref_slice %arg4[%add3A_48] : memref<320000xi32, #tpu.memory_space<hbm>> -> memref<128xi32, #tpu.memory_space<hbm>>
        %dma_wait3A_91 = tpu.memref_slice %arg4[%add3A_48] : memref<320000xi32, #tpu.memory_space<hbm>> -> memref<128xi32, #tpu.memory_space<hbm>>
        tpu.wait_dma2 semaphore(%run_scoped3A : memref<!tpu.dma_semaphore, #tpu.memory_space<semaphore_mem>>) src(%dma_wait3A_91 : memref<128xi32, #tpu.memory_space<hbm>>) dst(%arg11 : memref<128xi32, #tpu.memory_space<vmem>>)
        tpu.yield
      }) : () -> ()
      %dma_start3A_49 = arith.constant 256 : i32
      %dma_start3A_50 = tpu.memref_slice %arg8[%dma_start3A_49] : memref<384xi32, #tpu.memory_space<vmem>> -> memref<128xi32, #tpu.memory_space<vmem>>
      %dma_start3A_51 = arith.constant 0 : i32
      %dma_start3A_52 = arith.constant 0 : i32
      %dma_start3A_53 = tpu.memref_slice %arg2[%dma_start3A_51, %dma_start3A_52] : memref<10000x128xf32, #tpu.memory_space<hbm>> -> memref<10000x128xf32, #tpu.memory_space<hbm>>
      tpu.enqueue_indirect_dma source(%dma_start3A_53 : memref<10000x128xf32, #tpu.memory_space<hbm>>) target(%arg14 : memref<128x128xf32, #tpu.memory_space<vmem>>) offsets(%dma_start3A_50 : memref<128xi32, #tpu.memory_space<vmem>>) semaphore(%arg18 : memref<!tpu.dma_semaphore, #tpu.memory_space<semaphore_mem>>)
      %dma_wait3A_54 = arith.constant 0 : i32
      %dma_wait3A_55 = tpu.memref_slice %arg8[%dma_wait3A_54] : memref<384xi32, #tpu.memory_space<vmem>> -> memref<128xi32, #tpu.memory_space<vmem>>
      %dma_wait3A_56 = arith.constant 0 : i32
      %dma_wait3A_57 = arith.constant 0 : i32
      %dma_wait3A_58 = tpu.memref_slice %arg2[%dma_wait3A_56, %dma_wait3A_57] : memref<10000x128xf32, #tpu.memory_space<hbm>> -> memref<10000x128xf32, #tpu.memory_space<hbm>>
      tpu.wait_indirect_dma semaphore(%arg16 : memref<!tpu.dma_semaphore, #tpu.memory_space<semaphore_mem>>) src(%dma_wait3A_58 : memref<10000x128xf32, #tpu.memory_space<hbm>>) dst(%arg12 : memref<128x128xf32, #tpu.memory_space<vmem>>)
      %dma_start3A_59 = arith.constant 0 : i32
      %dma_start3A_60 = arith.constant 0 : i32
      %dma_start3A_61 = tpu.memref_slice %arg7[%dma_start3A_59, %dma_start3A_60] : memref<10112x128xf32, #tpu.memory_space<vmem_shared>> -> memref<10112x128xf32, #tpu.memory_space<vmem_shared>>
      tpu.enqueue_indirect_dma source(%arg12 : memref<128x128xf32, #tpu.memory_space<vmem>>) target(%dma_start3A_61 : memref<10112x128xf32, #tpu.memory_space<vmem_shared>>) offsets(%arg9 : memref<128xi32, #tpu.memory_space<vmem>>) semaphore(%arg19 : memref<!tpu.dma_semaphore, #tpu.memory_space<semaphore_mem>>) {add = true}
      %dma_wait3A_62 = arith.constant 128 : i32
      %dma_wait3A_63 = tpu.memref_slice %arg8[%dma_wait3A_62] : memref<384xi32, #tpu.memory_space<vmem>> -> memref<128xi32, #tpu.memory_space<vmem>>
      %dma_wait3A_64 = arith.constant 0 : i32
      %dma_wait3A_65 = arith.constant 0 : i32
      %dma_wait3A_66 = tpu.memref_slice %arg2[%dma_wait3A_64, %dma_wait3A_65] : memref<10000x128xf32, #tpu.memory_space<hbm>> -> memref<10000x128xf32, #tpu.memory_space<hbm>>
      tpu.wait_indirect_dma semaphore(%arg17 : memref<!tpu.dma_semaphore, #tpu.memory_space<semaphore_mem>>) src(%dma_wait3A_66 : memref<10000x128xf32, #tpu.memory_space<hbm>>) dst(%arg13 : memref<128x128xf32, #tpu.memory_space<vmem>>)
      %dma_start3A_67 = arith.constant 0 : i32
      %dma_start3A_68 = arith.constant 0 : i32
      %dma_start3A_69 = tpu.memref_slice %arg7[%dma_start3A_67, %dma_start3A_68] : memref<10112x128xf32, #tpu.memory_space<vmem_shared>> -> memref<10112x128xf32, #tpu.memory_space<vmem_shared>>
      tpu.enqueue_indirect_dma source(%arg13 : memref<128x128xf32, #tpu.memory_space<vmem>>) target(%dma_start3A_69 : memref<10112x128xf32, #tpu.memory_space<vmem_shared>>) offsets(%arg10 : memref<128xi32, #tpu.memory_space<vmem>>) semaphore(%arg20 : memref<!tpu.dma_semaphore, #tpu.memory_space<semaphore_mem>>) {add = true}
      %dma_wait3A_70 = arith.constant 256 : i32
      %dma_wait3A_71 = tpu.memref_slice %arg8[%dma_wait3A_70] : memref<384xi32, #tpu.memory_space<vmem>> -> memref<128xi32, #tpu.memory_space<vmem>>
      %dma_wait3A_72 = arith.constant 0 : i32
      %dma_wait3A_73 = arith.constant 0 : i32
      %dma_wait3A_74 = tpu.memref_slice %arg2[%dma_wait3A_72, %dma_wait3A_73] : memref<10000x128xf32, #tpu.memory_space<hbm>> -> memref<10000x128xf32, #tpu.memory_space<hbm>>
      tpu.wait_indirect_dma semaphore(%arg18 : memref<!tpu.dma_semaphore, #tpu.memory_space<semaphore_mem>>) src(%dma_wait3A_74 : memref<10000x128xf32, #tpu.memory_space<hbm>>) dst(%arg14 : memref<128x128xf32, #tpu.memory_space<vmem>>)
      %dma_start3A_75 = arith.constant 0 : i32
      %dma_start3A_76 = arith.constant 0 : i32
      %dma_start3A_77 = tpu.memref_slice %arg7[%dma_start3A_75, %dma_start3A_76] : memref<10112x128xf32, #tpu.memory_space<vmem_shared>> -> memref<10112x128xf32, #tpu.memory_space<vmem_shared>>
      tpu.enqueue_indirect_dma source(%arg14 : memref<128x128xf32, #tpu.memory_space<vmem>>) target(%dma_start3A_77 : memref<10112x128xf32, #tpu.memory_space<vmem_shared>>) offsets(%arg11 : memref<128xi32, #tpu.memory_space<vmem>>) semaphore(%arg21 : memref<!tpu.dma_semaphore, #tpu.memory_space<semaphore_mem>>) {add = true}
      %dma_wait3A_78 = arith.constant 0 : i32
      %dma_wait3A_79 = arith.constant 0 : i32
      %dma_wait3A_80 = tpu.memref_slice %arg7[%dma_wait3A_78, %dma_wait3A_79] : memref<10112x128xf32, #tpu.memory_space<vmem_shared>> -> memref<10112x128xf32, #tpu.memory_space<vmem_shared>>
      tpu.wait_indirect_dma semaphore(%arg19 : memref<!tpu.dma_semaphore, #tpu.memory_space<semaphore_mem>>) src(%arg12 : memref<128x128xf32, #tpu.memory_space<vmem>>) dst(%dma_wait3A_80 : memref<10112x128xf32, #tpu.memory_space<vmem_shared>>)
      %dma_wait3A_81 = arith.constant 0 : i32
      %dma_wait3A_82 = arith.constant 0 : i32
      %dma_wait3A_83 = tpu.memref_slice %arg7[%dma_wait3A_81, %dma_wait3A_82] : memref<10112x128xf32, #tpu.memory_space<vmem_shared>> -> memref<10112x128xf32, #tpu.memory_space<vmem_shared>>
      tpu.wait_indirect_dma semaphore(%arg20 : memref<!tpu.dma_semaphore, #tpu.memory_space<semaphore_mem>>) src(%arg13 : memref<128x128xf32, #tpu.memory_space<vmem>>) dst(%dma_wait3A_83 : memref<10112x128xf32, #tpu.memory_space<vmem_shared>>)
      %dma_wait3A_84 = arith.constant 0 : i32
      %dma_wait3A_85 = arith.constant 0 : i32
      %dma_wait3A_86 = tpu.memref_slice %arg7[%dma_wait3A_84, %dma_wait3A_85] : memref<10112x128xf32, #tpu.memory_space<vmem_shared>> -> memref<10112x128xf32, #tpu.memory_space<vmem_shared>>
      tpu.wait_indirect_dma semaphore(%arg21 : memref<!tpu.dma_semaphore, #tpu.memory_space<semaphore_mem>>) src(%arg14 : memref<128x128xf32, #tpu.memory_space<vmem>>) dst(%dma_wait3A_86 : memref<10112x128xf32, #tpu.memory_space<vmem_shared>>)
      %scan3A_87 = arith.constant 0 : i32
      scf.yield %scan3A_87 : i32
    }
    %scan3A_10 = arith.constant 26 : i32
    %add3A_11 = arith.constant 9984 : i32
    %add3A_12 = arith.addi %mul3A_2, %add3A_11 : i32
    "tpu.region"() ({
      %run_scoped3A = tpu.sem_alloc : memref<!tpu.dma_semaphore, #tpu.memory_space<semaphore_mem>>
      %dma_start3A_28 = arith.constant 0 : i32
      %dma_start3A_29 = tpu.memref_slice %arg8[%dma_start3A_28] : memref<384xi32, #tpu.memory_space<vmem>> -> memref<16xi32, #tpu.memory_space<vmem>>
      %dma_start3A_30 = tpu.memref_slice %arg3[%add3A_12] : memref<320000xi32, #tpu.memory_space<hbm>> -> memref<16xi32, #tpu.memory_space<hbm>>
      %dma_start3A_31 = arith.constant 0 : i32
      %dma_start3A_32 = tpu.memref_slice %arg8[%dma_start3A_31] : memref<384xi32, #tpu.memory_space<vmem>> -> memref<16xi32, #tpu.memory_space<vmem>>
      %dma_start3A_33 = tpu.memref_slice %arg3[%add3A_12] : memref<320000xi32, #tpu.memory_space<hbm>> -> memref<16xi32, #tpu.memory_space<hbm>>
      tpu.enqueue_dma source(%dma_start3A_33 : memref<16xi32, #tpu.memory_space<hbm>>) target(%dma_start3A_32 : memref<16xi32, #tpu.memory_space<vmem>>) target_semaphore(%run_scoped3A : memref<!tpu.dma_semaphore, #tpu.memory_space<semaphore_mem>>)
      %dma_wait3A_34 = arith.constant 0 : i32
      %dma_wait3A_35 = tpu.memref_slice %arg8[%dma_wait3A_34] : memref<384xi32, #tpu.memory_space<vmem>> -> memref<16xi32, #tpu.memory_space<vmem>>
      %dma_wait3A_36 = tpu.memref_slice %arg3[%add3A_12] : memref<320000xi32, #tpu.memory_space<hbm>> -> memref<16xi32, #tpu.memory_space<hbm>>
      %dma_wait3A_37 = arith.constant 0 : i32
      %dma_wait3A_38 = tpu.memref_slice %arg8[%dma_wait3A_37] : memref<384xi32, #tpu.memory_space<vmem>> -> memref<16xi32, #tpu.memory_space<vmem>>
      %dma_wait3A_39 = tpu.memref_slice %arg3[%add3A_12] : memref<320000xi32, #tpu.memory_space<hbm>> -> memref<16xi32, #tpu.memory_space<hbm>>
      tpu.wait_dma2 semaphore(%run_scoped3A : memref<!tpu.dma_semaphore, #tpu.memory_space<semaphore_mem>>) src(%dma_wait3A_39 : memref<16xi32, #tpu.memory_space<hbm>>) dst(%dma_wait3A_38 : memref<16xi32, #tpu.memory_space<vmem>>)
      tpu.yield
    }) : () -> ()
    "tpu.region"() ({
      %run_scoped3A = tpu.sem_alloc : memref<!tpu.dma_semaphore, #tpu.memory_space<semaphore_mem>>
      %dma_start3A_28 = tpu.memref_slice %arg4[%add3A_12] : memref<320000xi32, #tpu.memory_space<hbm>> -> memref<16xi32, #tpu.memory_space<hbm>>
      %dma_start3A_29 = tpu.memref_slice %arg4[%add3A_12] : memref<320000xi32, #tpu.memory_space<hbm>> -> memref<16xi32, #tpu.memory_space<hbm>>
      tpu.enqueue_dma source(%dma_start3A_29 : memref<16xi32, #tpu.memory_space<hbm>>) target(%arg15 : memref<16xi32, #tpu.memory_space<vmem>>) target_semaphore(%run_scoped3A : memref<!tpu.dma_semaphore, #tpu.memory_space<semaphore_mem>>)
      %dma_wait3A_30 = tpu.memref_slice %arg4[%add3A_12] : memref<320000xi32, #tpu.memory_space<hbm>> -> memref<16xi32, #tpu.memory_space<hbm>>
      %dma_wait3A_31 = tpu.memref_slice %arg4[%add3A_12] : memref<320000xi32, #tpu.memory_space<hbm>> -> memref<16xi32, #tpu.memory_space<hbm>>
      tpu.wait_dma2 semaphore(%run_scoped3A : memref<!tpu.dma_semaphore, #tpu.memory_space<semaphore_mem>>) src(%dma_wait3A_31 : memref<16xi32, #tpu.memory_space<hbm>>) dst(%arg15 : memref<16xi32, #tpu.memory_space<vmem>>)
      tpu.yield
    }) : () -> ()
    %dma_start3A = arith.constant 0 : i32
    %dma_start3A_13 = arith.constant 0 : i32
    %dma_start3A_14 = tpu.memref_slice %arg12[%dma_start3A, %dma_start3A_13] : memref<128x128xf32, #tpu.memory_space<vmem>> -> memref<16x128xf32, #tpu.memory_space<vmem>>
    %dma_start3A_15 = arith.constant 0 : i32
    %dma_start3A_16 = tpu.memref_slice %arg8[%dma_start3A_15] : memref<384xi32, #tpu.memory_space<vmem>> -> memref<16xi32, #tpu.memory_space<vmem>>
    %dma_start3A_17 = arith.constant 0 : i32
    %dma_start3A_18 = arith.constant 0 : i32
    %dma_start3A_19 = tpu.memref_slice %arg2[%dma_start3A_17, %dma_start3A_18] : memref<10000x128xf32, #tpu.memory_space<hbm>> -> memref<10000x128xf32, #tpu.memory_space<hbm>>
    tpu.enqueue_indirect_dma source(%dma_start3A_19 : memref<10000x128xf32, #tpu.memory_space<hbm>>) target(%dma_start3A_14 : memref<16x128xf32, #tpu.memory_space<vmem>>) offsets(%dma_start3A_16 : memref<16xi32, #tpu.memory_space<vmem>>) semaphore(%arg16 : memref<!tpu.dma_semaphore, #tpu.memory_space<semaphore_mem>>)
    %dma_wait3A = arith.constant 0 : i32
    %dma_wait3A_20 = arith.constant 0 : i32
    %dma_wait3A_21 = tpu.memref_slice %arg12[%dma_wait3A, %dma_wait3A_20] : memref<128x128xf32, #tpu.memory_space<vmem>> -> memref<16x128xf32, #tpu.memory_space<vmem>>
    %dma_wait3A_22 = arith.constant 0 : i32
    %dma_wait3A_23 = tpu.memref_slice %arg8[%dma_wait3A_22] : memref<384xi32, #tpu.memory_space<vmem>> -> memref<16xi32, #tpu.memory_space<vmem>>
    %dma_wait3A_24 = arith.constant 0 : i32
    %dma_wait3A_25 = arith.constant 0 : i32
    %dma_wait3A_26 = tpu.memref_slice %arg2[%dma_wait3A_24, %dma_wait3A_25] : memref<10000x128xf32, #tpu.memory_space<hbm>> -> memref<10000x128xf32, #tpu.memory_space<hbm>>
    tpu.wait_indirect_dma semaphore(%arg16 : memref<!tpu.dma_semaphore, #tpu.memory_space<semaphore_mem>>) src(%dma_wait3A_26 : memref<10000x128xf32, #tpu.memory_space<hbm>>) dst(%dma_wait3A_21 : memref<16x128xf32, #tpu.memory_space<vmem>>)
    "tpu.region"() ({
      %run_scoped3A = tpu.sem_alloc : memref<!tpu.dma_semaphore, #tpu.memory_space<semaphore_mem>>
      %dma_start3A_28 = arith.constant 0 : i32
      %dma_start3A_29 = arith.constant 0 : i32
      %dma_start3A_30 = tpu.memref_slice %arg12[%dma_start3A_28, %dma_start3A_29] : memref<128x128xf32, #tpu.memory_space<vmem>> -> memref<16x128xf32, #tpu.memory_space<vmem>>
      %dma_start3A_31 = arith.constant 0 : i32
      %dma_start3A_32 = arith.constant 0 : i32
      %dma_start3A_33 = tpu.memref_slice %arg7[%dma_start3A_31, %dma_start3A_32] : memref<10112x128xf32, #tpu.memory_space<vmem_shared>> -> memref<10112x128xf32, #tpu.memory_space<vmem_shared>>
      tpu.enqueue_indirect_dma source(%dma_start3A_30 : memref<16x128xf32, #tpu.memory_space<vmem>>) target(%dma_start3A_33 : memref<10112x128xf32, #tpu.memory_space<vmem_shared>>) offsets(%arg15 : memref<16xi32, #tpu.memory_space<vmem>>) semaphore(%run_scoped3A : memref<!tpu.dma_semaphore, #tpu.memory_space<semaphore_mem>>) {add = true}
      %dma_wait3A_34 = arith.constant 0 : i32
      %dma_wait3A_35 = arith.constant 0 : i32
      %dma_wait3A_36 = tpu.memref_slice %arg12[%dma_wait3A_34, %dma_wait3A_35] : memref<128x128xf32, #tpu.memory_space<vmem>> -> memref<16x128xf32, #tpu.memory_space<vmem>>
      %dma_wait3A_37 = arith.constant 0 : i32
      %dma_wait3A_38 = arith.constant 0 : i32
      %dma_wait3A_39 = tpu.memref_slice %arg7[%dma_wait3A_37, %dma_wait3A_38] : memref<10112x128xf32, #tpu.memory_space<vmem_shared>> -> memref<10112x128xf32, #tpu.memory_space<vmem_shared>>
      tpu.wait_indirect_dma semaphore(%run_scoped3A : memref<!tpu.dma_semaphore, #tpu.memory_space<semaphore_mem>>) src(%dma_wait3A_36 : memref<16x128xf32, #tpu.memory_space<vmem>>) dst(%dma_wait3A_39 : memref<10112x128xf32, #tpu.memory_space<vmem_shared>>)
      tpu.yield
    }) : () -> ()
    %barrier3A_27 = arith.constant 0 : index
    tpu.barrier barrier_id(%barrier3A_27)
    "tpu.region"() ({
      %run_scoped3A = tpu.sem_alloc : memref<!tpu.dma_semaphore, #tpu.memory_space<semaphore_mem>>
      %dma_start3A_28 = arith.constant 0 : i32
      %dma_start3A_29 = tpu.memref_slice %arg6[%arg0, %mul3A_4, %dma_start3A_28] : memref<2x10112x128xf32, #tpu.memory_space<hbm>> -> memref<1x632x128xf32, #tpu.memory_space<hbm>>
      %dma_start3A_30 = tpu.memref_squeeze %dma_start3A_29 : memref<1x632x128xf32, #tpu.memory_space<hbm>> -> memref<632x128xf32, #tpu.memory_space<hbm>>
      %dma_start3A_31 = arith.constant 0 : i32
      %dma_start3A_32 = tpu.memref_slice %arg7[%mul3A_4, %dma_start3A_31] : memref<10112x128xf32, #tpu.memory_space<vmem_shared>> -> memref<632x128xf32, #tpu.memory_space<vmem_shared>>
      tpu.enqueue_dma source(%dma_start3A_32 : memref<632x128xf32, #tpu.memory_space<vmem_shared>>) target(%dma_start3A_30 : memref<632x128xf32, #tpu.memory_space<hbm>>) target_semaphore(%run_scoped3A : memref<!tpu.dma_semaphore, #tpu.memory_space<semaphore_mem>>)
      %dma_wait3A_33 = arith.constant 0 : i32
      %dma_wait3A_34 = tpu.memref_slice %arg6[%arg0, %mul3A_4, %dma_wait3A_33] : memref<2x10112x128xf32, #tpu.memory_space<hbm>> -> memref<1x632x128xf32, #tpu.memory_space<hbm>>
      %dma_wait3A_35 = tpu.memref_squeeze %dma_wait3A_34 : memref<1x632x128xf32, #tpu.memory_space<hbm>> -> memref<632x128xf32, #tpu.memory_space<hbm>>
      %dma_wait3A_36 = arith.constant 0 : i32
      %dma_wait3A_37 = tpu.memref_slice %arg7[%mul3A_4, %dma_wait3A_36] : memref<10112x128xf32, #tpu.memory_space<vmem_shared>> -> memref<632x128xf32, #tpu.memory_space<vmem_shared>>
      tpu.wait_dma2 semaphore(%run_scoped3A : memref<!tpu.dma_semaphore, #tpu.memory_space<semaphore_mem>>) src(%dma_wait3A_37 : memref<632x128xf32, #tpu.memory_space<vmem_shared>>) dst(%dma_wait3A_35 : memref<632x128xf32, #tpu.memory_space<hbm>>)
      tpu.yield
    }) : () -> ()
    return
  }
}

#map = affine_map<(d0, d1) -> (0, 0)>
#map1 = affine_map<(d0, d1) -> (0)>
#map2 = affine_map<(d0, d1) -> (0, 0, 0)>
module attributes {stable_mosaic.version = 14 : i64} {
  func.func @_segsum_body(%arg0: i32, %arg1: i32, %arg2: memref<10000x128xf32, #tpu.memory_space<hbm>>, %arg3: memref<320000xi32, #tpu.memory_space<hbm>>, %arg4: memref<320000xi32, #tpu.memory_space<hbm>>, %arg5: memref<632x128xf32, #tpu.memory_space<hbm>>, %arg6: memref<2x10112x128xf32, #tpu.memory_space<hbm>>, %arg7: memref<10112x128xf32, #tpu.memory_space<vmem_shared>>, %arg8: memref<384xi32, #tpu.memory_space<vmem>>, %arg9: memref<128xi32, #tpu.memory_space<vmem>>, %arg10: memref<128xi32, #tpu.memory_space<vmem>>, %arg11: memref<128xi32, #tpu.memory_space<vmem>>, %arg12: memref<128x128xf32, #tpu.memory_space<vmem>>, %arg13: memref<128x128xf32, #tpu.memory_space<vmem>>, %arg14: memref<128x128xf32, #tpu.memory_space<vmem>>, %arg15: memref<16xi32, #tpu.memory_space<vmem>>, %arg16: memref<!tpu.dma_semaphore, #tpu.memory_space<semaphore_mem>>, %arg17: memref<!tpu.dma_semaphore, #tpu.memory_space<semaphore_mem>>, %arg18: memref<!tpu.dma_semaphore, #tpu.memory_space<semaphore_mem>>, %arg19: memref<!tpu.dma_semaphore, #tpu.memory_space<semaphore_mem>>, %arg20: memref<!tpu.dma_semaphore, #tpu.memory_space<semaphore_mem>>, %arg21: memref<!tpu.dma_semaphore, #tpu.memory_space<semaphore_mem>>) attributes {dimension_semantics = [#tpu.dimension_semantics<core_parallel>, #tpu.dimension_semantics<subcore_parallel>], iteration_bounds = array<i64: 2, 16>, scalar_prefetch = 0 : i64, scratch_operands = 15 : i64, tpu.core_type = #tpu.core_type<sc_vector_subcore>, window_params = [{transform_indices = #map}, {transform_indices = #map1}, {transform_indices = #map1}, {transform_indices = #map}, {transform_indices = #map2}]} {
    %mul3A = arith.constant 2 : i32
    %mul3A_0 = arith.muli %arg1, %mul3A : i32
    %add3A = arith.addi %mul3A_0, %arg0 : i32
    %mul3A_1 = arith.constant 10000 : i32
    %mul3A_2 = arith.muli %add3A, %mul3A_1 : i32
    %mul3A_3 = arith.constant 632 : i32
    %mul3A_4 = arith.muli %arg1, %mul3A_3 : i32
    "tpu.region"() ({
      %run_scoped3A = tpu.sem_alloc : memref<!tpu.dma_semaphore, #tpu.memory_space<semaphore_mem>>
      %dma_start3A_28 = arith.constant 0 : i32
      %dma_start3A_29 = tpu.memref_slice %arg7[%mul3A_4, %dma_start3A_28] : memref<10112x128xf32, #tpu.memory_space<vmem_shared>> -> memref<632x128xf32, #tpu.memory_space<vmem_shared>>
      tpu.enqueue_dma source(%arg5 : memref<632x128xf32, #tpu.memory_space<hbm>>) target(%dma_start3A_29 : memref<632x128xf32, #tpu.memory_space<vmem_shared>>) target_semaphore(%run_scoped3A : memref<!tpu.dma_semaphore, #tpu.memory_space<semaphore_mem>>)
      %dma_wait3A_30 = arith.constant 0 : i32
      %dma_wait3A_31 = tpu.memref_slice %arg7[%mul3A_4, %dma_wait3A_30] : memref<10112x128xf32, #tpu.memory_space<vmem_shared>> -> memref<632x128xf32, #tpu.memory_space<vmem_shared>>
      tpu.wait_dma2 semaphore(%run_scoped3A : memref<!tpu.dma_semaphore, #tpu.memory_space<semaphore_mem>>) src(%arg5 : memref<632x128xf32, #tpu.memory_space<hbm>>) dst(%dma_wait3A_31 : memref<632x128xf32, #tpu.memory_space<vmem_shared>>)
      tpu.yield
    }) : () -> ()
    %barrier3A = arith.constant 0 : index
    tpu.barrier barrier_id(%barrier3A)
    %scan3A = arith.constant 0 : i32
    %scan3A_5 = arith.constant 0 : i32
    %scan3A_6 = arith.constant 26 : i32
    %scan3A_7 = arith.addi %scan3A_5, %scan3A_6 : i32
    %scan3A_8 = arith.constant 1 : i32
    %scan3A_9 = scf.for %scan3A_28 = %scan3A_5 to %scan3A_7 step %scan3A_8 iter_args(%scan3A_29 = %scan3A) -> (i32)  : i32 {
      %mul3A_30 = arith.constant 3 : i32
      %mul3A_31 = arith.muli %scan3A_28, %mul3A_30 : i32
      %mul3A_32 = arith.constant 128 : i32
      %mul3A_33 = arith.muli %mul3A_31, %mul3A_32 : i32
      %add3A_34 = arith.addi %mul3A_2, %mul3A_33 : i32
      "tpu.region"() ({
        %run_scoped3A = tpu.sem_alloc : memref<!tpu.dma_semaphore, #tpu.memory_space<semaphore_mem>>
        %dma_start3A_88 = tpu.memref_slice %arg3[%add3A_34] : memref<320000xi32, #tpu.memory_space<hbm>> -> memref<384xi32, #tpu.memory_space<hbm>>
        %dma_start3A_89 = tpu.memref_slice %arg3[%add3A_34] : memref<320000xi32, #tpu.memory_space<hbm>> -> memref<384xi32, #tpu.memory_space<hbm>>
        tpu.enqueue_dma source(%dma_start3A_89 : memref<384xi32, #tpu.memory_space<hbm>>) target(%arg8 : memref<384xi32, #tpu.memory_space<vmem>>) target_semaphore(%run_scoped3A : memref<!tpu.dma_semaphore, #tpu.memory_space<semaphore_mem>>)
        %dma_wait3A_90 = tpu.memref_slice %arg3[%add3A_34] : memref<320000xi32, #tpu.memory_space<hbm>> -> memref<384xi32, #tpu.memory_space<hbm>>
        %dma_wait3A_91 = tpu.memref_slice %arg3[%add3A_34] : memref<320000xi32, #tpu.memory_space<hbm>> -> memref<384xi32, #tpu.memory_space<hbm>>
        tpu.wait_dma2 semaphore(%run_scoped3A : memref<!tpu.dma_semaphore, #tpu.memory_space<semaphore_mem>>) src(%dma_wait3A_91 : memref<384xi32, #tpu.memory_space<hbm>>) dst(%arg8 : memref<384xi32, #tpu.memory_space<vmem>>)
        tpu.yield
      }) : () -> ()
      "tpu.region"() ({
        %run_scoped3A = tpu.sem_alloc : memref<!tpu.dma_semaphore, #tpu.memory_space<semaphore_mem>>
        %dma_start3A_88 = tpu.memref_slice %arg4[%add3A_34] : memref<320000xi32, #tpu.memory_space<hbm>> -> memref<128xi32, #tpu.memory_space<hbm>>
        %dma_start3A_89 = tpu.memref_slice %arg4[%add3A_34] : memref<320000xi32, #tpu.memory_space<hbm>> -> memref<128xi32, #tpu.memory_space<hbm>>
        tpu.enqueue_dma source(%dma_start3A_89 : memref<128xi32, #tpu.memory_space<hbm>>) target(%arg9 : memref<128xi32, #tpu.memory_space<vmem>>) target_semaphore(%run_scoped3A : memref<!tpu.dma_semaphore, #tpu.memory_space<semaphore_mem>>)
        %dma_wait3A_90 = tpu.memref_slice %arg4[%add3A_34] : memref<320000xi32, #tpu.memory_space<hbm>> -> memref<128xi32, #tpu.memory_space<hbm>>
        %dma_wait3A_91 = tpu.memref_slice %arg4[%add3A_34] : memref<320000xi32, #tpu.memory_space<hbm>> -> memref<128xi32, #tpu.memory_space<hbm>>
        tpu.wait_dma2 semaphore(%run_scoped3A : memref<!tpu.dma_semaphore, #tpu.memory_space<semaphore_mem>>) src(%dma_wait3A_91 : memref<128xi32, #tpu.memory_space<hbm>>) dst(%arg9 : memref<128xi32, #tpu.memory_space<vmem>>)
        tpu.yield
      }) : () -> ()
      %dma_start3A_35 = arith.constant 0 : i32
      %dma_start3A_36 = tpu.memref_slice %arg8[%dma_start3A_35] : memref<384xi32, #tpu.memory_space<vmem>> -> memref<128xi32, #tpu.memory_space<vmem>>
      %dma_start3A_37 = arith.constant 0 : i32
      %dma_start3A_38 = arith.constant 0 : i32
      %dma_start3A_39 = tpu.memref_slice %arg2[%dma_start3A_37, %dma_start3A_38] : memref<10000x128xf32, #tpu.memory_space<hbm>> -> memref<10000x128xf32, #tpu.memory_space<hbm>>
      tpu.enqueue_indirect_dma source(%dma_start3A_39 : memref<10000x128xf32, #tpu.memory_space<hbm>>) target(%arg12 : memref<128x128xf32, #tpu.memory_space<vmem>>) offsets(%dma_start3A_36 : memref<128xi32, #tpu.memory_space<vmem>>) semaphore(%arg16 : memref<!tpu.dma_semaphore, #tpu.memory_space<semaphore_mem>>)
      %add3A_40 = arith.constant 128 : i32
      %add3A_41 = arith.addi %add3A_34, %add3A_40 : i32
      "tpu.region"() ({
        %run_scoped3A = tpu.sem_alloc : memref<!tpu.dma_semaphore, #tpu.memory_space<semaphore_mem>>
        %dma_start3A_88 = tpu.memref_slice %arg4[%add3A_41] : memref<320000xi32, #tpu.memory_space<hbm>> -> memref<128xi32, #tpu.memory_space<hbm>>
        %dma_start3A_89 = tpu.memref_slice %arg4[%add3A_41] : memref<320000xi32, #tpu.memory_space<hbm>> -> memref<128xi32, #tpu.memory_space<hbm>>
        tpu.enqueue_dma source(%dma_start3A_89 : memref<128xi32, #tpu.memory_space<hbm>>) target(%arg10 : memref<128xi32, #tpu.memory_space<vmem>>) target_semaphore(%run_scoped3A : memref<!tpu.dma_semaphore, #tpu.memory_space<semaphore_mem>>)
        %dma_wait3A_90 = tpu.memref_slice %arg4[%add3A_41] : memref<320000xi32, #tpu.memory_space<hbm>> -> memref<128xi32, #tpu.memory_space<hbm>>
        %dma_wait3A_91 = tpu.memref_slice %arg4[%add3A_41] : memref<320000xi32, #tpu.memory_space<hbm>> -> memref<128xi32, #tpu.memory_space<hbm>>
        tpu.wait_dma2 semaphore(%run_scoped3A : memref<!tpu.dma_semaphore, #tpu.memory_space<semaphore_mem>>) src(%dma_wait3A_91 : memref<128xi32, #tpu.memory_space<hbm>>) dst(%arg10 : memref<128xi32, #tpu.memory_space<vmem>>)
        tpu.yield
      }) : () -> ()
      %dma_start3A_42 = arith.constant 128 : i32
      %dma_start3A_43 = tpu.memref_slice %arg8[%dma_start3A_42] : memref<384xi32, #tpu.memory_space<vmem>> -> memref<128xi32, #tpu.memory_space<vmem>>
      %dma_start3A_44 = arith.constant 0 : i32
      %dma_start3A_45 = arith.constant 0 : i32
      %dma_start3A_46 = tpu.memref_slice %arg2[%dma_start3A_44, %dma_start3A_45] : memref<10000x128xf32, #tpu.memory_space<hbm>> -> memref<10000x128xf32, #tpu.memory_space<hbm>>
      tpu.enqueue_indirect_dma source(%dma_start3A_46 : memref<10000x128xf32, #tpu.memory_space<hbm>>) target(%arg13 : memref<128x128xf32, #tpu.memory_space<vmem>>) offsets(%dma_start3A_43 : memref<128xi32, #tpu.memory_space<vmem>>) semaphore(%arg17 : memref<!tpu.dma_semaphore, #tpu.memory_space<semaphore_mem>>)
      %add3A_47 = arith.constant 256 : i32
      %add3A_48 = arith.addi %add3A_34, %add3A_47 : i32
      "tpu.region"() ({
        %run_scoped3A = tpu.sem_alloc : memref<!tpu.dma_semaphore, #tpu.memory_space<semaphore_mem>>
        %dma_start3A_88 = tpu.memref_slice %arg4[%add3A_48] : memref<320000xi32, #tpu.memory_space<hbm>> -> memref<128xi32, #tpu.memory_space<hbm>>
        %dma_start3A_89 = tpu.memref_slice %arg4[%add3A_48] : memref<320000xi32, #tpu.memory_space<hbm>> -> memref<128xi32, #tpu.memory_space<hbm>>
        tpu.enqueue_dma source(%dma_start3A_89 : memref<128xi32, #tpu.memory_space<hbm>>) target(%arg11 : memref<128xi32, #tpu.memory_space<vmem>>) target_semaphore(%run_scoped3A : memref<!tpu.dma_semaphore, #tpu.memory_space<semaphore_mem>>)
        %dma_wait3A_90 = tpu.memref_slice %arg4[%add3A_48] : memref<320000xi32, #tpu.memory_space<hbm>> -> memref<128xi32, #tpu.memory_space<hbm>>
        %dma_wait3A_91 = tpu.memref_slice %arg4[%add3A_48] : memref<320000xi32, #tpu.memory_space<hbm>> -> memref<128xi32, #tpu.memory_space<hbm>>
        tpu.wait_dma2 semaphore(%run_scoped3A : memref<!tpu.dma_semaphore, #tpu.memory_space<semaphore_mem>>) src(%dma_wait3A_91 : memref<128xi32, #tpu.memory_space<hbm>>) dst(%arg11 : memref<128xi32, #tpu.memory_space<vmem>>)
        tpu.yield
      }) : () -> ()
      %dma_start3A_49 = arith.constant 256 : i32
      %dma_start3A_50 = tpu.memref_slice %arg8[%dma_start3A_49] : memref<384xi32, #tpu.memory_space<vmem>> -> memref<128xi32, #tpu.memory_space<vmem>>
      %dma_start3A_51 = arith.constant 0 : i32
      %dma_start3A_52 = arith.constant 0 : i32
      %dma_start3A_53 = tpu.memref_slice %arg2[%dma_start3A_51, %dma_start3A_52] : memref<10000x128xf32, #tpu.memory_space<hbm>> -> memref<10000x128xf32, #tpu.memory_space<hbm>>
      tpu.enqueue_indirect_dma source(%dma_start3A_53 : memref<10000x128xf32, #tpu.memory_space<hbm>>) target(%arg14 : memref<128x128xf32, #tpu.memory_space<vmem>>) offsets(%dma_start3A_50 : memref<128xi32, #tpu.memory_space<vmem>>) semaphore(%arg18 : memref<!tpu.dma_semaphore, #tpu.memory_space<semaphore_mem>>)
      %dma_wait3A_54 = arith.constant 0 : i32
      %dma_wait3A_55 = tpu.memref_slice %arg8[%dma_wait3A_54] : memref<384xi32, #tpu.memory_space<vmem>> -> memref<128xi32, #tpu.memory_space<vmem>>
      %dma_wait3A_56 = arith.constant 0 : i32
      %dma_wait3A_57 = arith.constant 0 : i32
      %dma_wait3A_58 = tpu.memref_slice %arg2[%dma_wait3A_56, %dma_wait3A_57] : memref<10000x128xf32, #tpu.memory_space<hbm>> -> memref<10000x128xf32, #tpu.memory_space<hbm>>
      tpu.wait_indirect_dma semaphore(%arg16 : memref<!tpu.dma_semaphore, #tpu.memory_space<semaphore_mem>>) src(%dma_wait3A_58 : memref<10000x128xf32, #tpu.memory_space<hbm>>) dst(%arg12 : memref<128x128xf32, #tpu.memory_space<vmem>>)
      %dma_start3A_59 = arith.constant 0 : i32
      %dma_start3A_60 = arith.constant 0 : i32
      %dma_start3A_61 = tpu.memref_slice %arg7[%dma_start3A_59, %dma_start3A_60] : memref<10112x128xf32, #tpu.memory_space<vmem_shared>> -> memref<10112x128xf32, #tpu.memory_space<vmem_shared>>
      tpu.enqueue_indirect_dma source(%arg12 : memref<128x128xf32, #tpu.memory_space<vmem>>) target(%dma_start3A_61 : memref<10112x128xf32, #tpu.memory_space<vmem_shared>>) offsets(%arg9 : memref<128xi32, #tpu.memory_space<vmem>>) semaphore(%arg19 : memref<!tpu.dma_semaphore, #tpu.memory_space<semaphore_mem>>) {add = true}
      %dma_wait3A_62 = arith.constant 128 : i32
      %dma_wait3A_63 = tpu.memref_slice %arg8[%dma_wait3A_62] : memref<384xi32, #tpu.memory_space<vmem>> -> memref<128xi32, #tpu.memory_space<vmem>>
      %dma_wait3A_64 = arith.constant 0 : i32
      %dma_wait3A_65 = arith.constant 0 : i32
      %dma_wait3A_66 = tpu.memref_slice %arg2[%dma_wait3A_64, %dma_wait3A_65] : memref<10000x128xf32, #tpu.memory_space<hbm>> -> memref<10000x128xf32, #tpu.memory_space<hbm>>
      tpu.wait_indirect_dma semaphore(%arg17 : memref<!tpu.dma_semaphore, #tpu.memory_space<semaphore_mem>>) src(%dma_wait3A_66 : memref<10000x128xf32, #tpu.memory_space<hbm>>) dst(%arg13 : memref<128x128xf32, #tpu.memory_space<vmem>>)
      %dma_start3A_67 = arith.constant 0 : i32
      %dma_start3A_68 = arith.constant 0 : i32
      %dma_start3A_69 = tpu.memref_slice %arg7[%dma_start3A_67, %dma_start3A_68] : memref<10112x128xf32, #tpu.memory_space<vmem_shared>> -> memref<10112x128xf32, #tpu.memory_space<vmem_shared>>
      tpu.enqueue_indirect_dma source(%arg13 : memref<128x128xf32, #tpu.memory_space<vmem>>) target(%dma_start3A_69 : memref<10112x128xf32, #tpu.memory_space<vmem_shared>>) offsets(%arg10 : memref<128xi32, #tpu.memory_space<vmem>>) semaphore(%arg20 : memref<!tpu.dma_semaphore, #tpu.memory_space<semaphore_mem>>) {add = true}
      %dma_wait3A_70 = arith.constant 256 : i32
      %dma_wait3A_71 = tpu.memref_slice %arg8[%dma_wait3A_70] : memref<384xi32, #tpu.memory_space<vmem>> -> memref<128xi32, #tpu.memory_space<vmem>>
      %dma_wait3A_72 = arith.constant 0 : i32
      %dma_wait3A_73 = arith.constant 0 : i32
      %dma_wait3A_74 = tpu.memref_slice %arg2[%dma_wait3A_72, %dma_wait3A_73] : memref<10000x128xf32, #tpu.memory_space<hbm>> -> memref<10000x128xf32, #tpu.memory_space<hbm>>
      tpu.wait_indirect_dma semaphore(%arg18 : memref<!tpu.dma_semaphore, #tpu.memory_space<semaphore_mem>>) src(%dma_wait3A_74 : memref<10000x128xf32, #tpu.memory_space<hbm>>) dst(%arg14 : memref<128x128xf32, #tpu.memory_space<vmem>>)
      %dma_start3A_75 = arith.constant 0 : i32
      %dma_start3A_76 = arith.constant 0 : i32
      %dma_start3A_77 = tpu.memref_slice %arg7[%dma_start3A_75, %dma_start3A_76] : memref<10112x128xf32, #tpu.memory_space<vmem_shared>> -> memref<10112x128xf32, #tpu.memory_space<vmem_shared>>
      tpu.enqueue_indirect_dma source(%arg14 : memref<128x128xf32, #tpu.memory_space<vmem>>) target(%dma_start3A_77 : memref<10112x128xf32, #tpu.memory_space<vmem_shared>>) offsets(%arg11 : memref<128xi32, #tpu.memory_space<vmem>>) semaphore(%arg21 : memref<!tpu.dma_semaphore, #tpu.memory_space<semaphore_mem>>) {add = true}
      %dma_wait3A_78 = arith.constant 0 : i32
      %dma_wait3A_79 = arith.constant 0 : i32
      %dma_wait3A_80 = tpu.memref_slice %arg7[%dma_wait3A_78, %dma_wait3A_79] : memref<10112x128xf32, #tpu.memory_space<vmem_shared>> -> memref<10112x128xf32, #tpu.memory_space<vmem_shared>>
      tpu.wait_indirect_dma semaphore(%arg19 : memref<!tpu.dma_semaphore, #tpu.memory_space<semaphore_mem>>) src(%arg12 : memref<128x128xf32, #tpu.memory_space<vmem>>) dst(%dma_wait3A_80 : memref<10112x128xf32, #tpu.memory_space<vmem_shared>>)
      %dma_wait3A_81 = arith.constant 0 : i32
      %dma_wait3A_82 = arith.constant 0 : i32
      %dma_wait3A_83 = tpu.memref_slice %arg7[%dma_wait3A_81, %dma_wait3A_82] : memref<10112x128xf32, #tpu.memory_space<vmem_shared>> -> memref<10112x128xf32, #tpu.memory_space<vmem_shared>>
      tpu.wait_indirect_dma semaphore(%arg20 : memref<!tpu.dma_semaphore, #tpu.memory_space<semaphore_mem>>) src(%arg13 : memref<128x128xf32, #tpu.memory_space<vmem>>) dst(%dma_wait3A_83 : memref<10112x128xf32, #tpu.memory_space<vmem_shared>>)
      %dma_wait3A_84 = arith.constant 0 : i32
      %dma_wait3A_85 = arith.constant 0 : i32
      %dma_wait3A_86 = tpu.memref_slice %arg7[%dma_wait3A_84, %dma_wait3A_85] : memref<10112x128xf32, #tpu.memory_space<vmem_shared>> -> memref<10112x128xf32, #tpu.memory_space<vmem_shared>>
      tpu.wait_indirect_dma semaphore(%arg21 : memref<!tpu.dma_semaphore, #tpu.memory_space<semaphore_mem>>) src(%arg14 : memref<128x128xf32, #tpu.memory_space<vmem>>) dst(%dma_wait3A_86 : memref<10112x128xf32, #tpu.memory_space<vmem_shared>>)
      %scan3A_87 = arith.constant 0 : i32
      scf.yield %scan3A_87 : i32
    }
    %scan3A_10 = arith.constant 26 : i32
    %add3A_11 = arith.constant 9984 : i32
    %add3A_12 = arith.addi %mul3A_2, %add3A_11 : i32
    "tpu.region"() ({
      %run_scoped3A = tpu.sem_alloc : memref<!tpu.dma_semaphore, #tpu.memory_space<semaphore_mem>>
      %dma_start3A_28 = arith.constant 0 : i32
      %dma_start3A_29 = tpu.memref_slice %arg8[%dma_start3A_28] : memref<384xi32, #tpu.memory_space<vmem>> -> memref<16xi32, #tpu.memory_space<vmem>>
      %dma_start3A_30 = tpu.memref_slice %arg3[%add3A_12] : memref<320000xi32, #tpu.memory_space<hbm>> -> memref<16xi32, #tpu.memory_space<hbm>>
      %dma_start3A_31 = arith.constant 0 : i32
      %dma_start3A_32 = tpu.memref_slice %arg8[%dma_start3A_31] : memref<384xi32, #tpu.memory_space<vmem>> -> memref<16xi32, #tpu.memory_space<vmem>>
      %dma_start3A_33 = tpu.memref_slice %arg3[%add3A_12] : memref<320000xi32, #tpu.memory_space<hbm>> -> memref<16xi32, #tpu.memory_space<hbm>>
      tpu.enqueue_dma source(%dma_start3A_33 : memref<16xi32, #tpu.memory_space<hbm>>) target(%dma_start3A_32 : memref<16xi32, #tpu.memory_space<vmem>>) target_semaphore(%run_scoped3A : memref<!tpu.dma_semaphore, #tpu.memory_space<semaphore_mem>>)
      %dma_wait3A_34 = arith.constant 0 : i32
      %dma_wait3A_35 = tpu.memref_slice %arg8[%dma_wait3A_34] : memref<384xi32, #tpu.memory_space<vmem>> -> memref<16xi32, #tpu.memory_space<vmem>>
      %dma_wait3A_36 = tpu.memref_slice %arg3[%add3A_12] : memref<320000xi32, #tpu.memory_space<hbm>> -> memref<16xi32, #tpu.memory_space<hbm>>
      %dma_wait3A_37 = arith.constant 0 : i32
      %dma_wait3A_38 = tpu.memref_slice %arg8[%dma_wait3A_37] : memref<384xi32, #tpu.memory_space<vmem>> -> memref<16xi32, #tpu.memory_space<vmem>>
      %dma_wait3A_39 = tpu.memref_slice %arg3[%add3A_12] : memref<320000xi32, #tpu.memory_space<hbm>> -> memref<16xi32, #tpu.memory_space<hbm>>
      tpu.wait_dma2 semaphore(%run_scoped3A : memref<!tpu.dma_semaphore, #tpu.memory_space<semaphore_mem>>) src(%dma_wait3A_39 : memref<16xi32, #tpu.memory_space<hbm>>) dst(%dma_wait3A_38 : memref<16xi32, #tpu.memory_space<vmem>>)
      tpu.yield
    }) : () -> ()
    "tpu.region"() ({
      %run_scoped3A = tpu.sem_alloc : memref<!tpu.dma_semaphore, #tpu.memory_space<semaphore_mem>>
      %dma_start3A_28 = tpu.memref_slice %arg4[%add3A_12] : memref<320000xi32, #tpu.memory_space<hbm>> -> memref<16xi32, #tpu.memory_space<hbm>>
      %dma_start3A_29 = tpu.memref_slice %arg4[%add3A_12] : memref<320000xi32, #tpu.memory_space<hbm>> -> memref<16xi32, #tpu.memory_space<hbm>>
      tpu.enqueue_dma source(%dma_start3A_29 : memref<16xi32, #tpu.memory_space<hbm>>) target(%arg15 : memref<16xi32, #tpu.memory_space<vmem>>) target_semaphore(%run_scoped3A : memref<!tpu.dma_semaphore, #tpu.memory_space<semaphore_mem>>)
      %dma_wait3A_30 = tpu.memref_slice %arg4[%add3A_12] : memref<320000xi32, #tpu.memory_space<hbm>> -> memref<16xi32, #tpu.memory_space<hbm>>
      %dma_wait3A_31 = tpu.memref_slice %arg4[%add3A_12] : memref<320000xi32, #tpu.memory_space<hbm>> -> memref<16xi32, #tpu.memory_space<hbm>>
      tpu.wait_dma2 semaphore(%run_scoped3A : memref<!tpu.dma_semaphore, #tpu.memory_space<semaphore_mem>>) src(%dma_wait3A_31 : memref<16xi32, #tpu.memory_space<hbm>>) dst(%arg15 : memref<16xi32, #tpu.memory_space<vmem>>)
      tpu.yield
    }) : () -> ()
    %dma_start3A = arith.constant 0 : i32
    %dma_start3A_13 = arith.constant 0 : i32
    %dma_start3A_14 = tpu.memref_slice %arg12[%dma_start3A, %dma_start3A_13] : memref<128x128xf32, #tpu.memory_space<vmem>> -> memref<16x128xf32, #tpu.memory_space<vmem>>
    %dma_start3A_15 = arith.constant 0 : i32
    %dma_start3A_16 = tpu.memref_slice %arg8[%dma_start3A_15] : memref<384xi32, #tpu.memory_space<vmem>> -> memref<16xi32, #tpu.memory_space<vmem>>
    %dma_start3A_17 = arith.constant 0 : i32
    %dma_start3A_18 = arith.constant 0 : i32
    %dma_start3A_19 = tpu.memref_slice %arg2[%dma_start3A_17, %dma_start3A_18] : memref<10000x128xf32, #tpu.memory_space<hbm>> -> memref<10000x128xf32, #tpu.memory_space<hbm>>
    tpu.enqueue_indirect_dma source(%dma_start3A_19 : memref<10000x128xf32, #tpu.memory_space<hbm>>) target(%dma_start3A_14 : memref<16x128xf32, #tpu.memory_space<vmem>>) offsets(%dma_start3A_16 : memref<16xi32, #tpu.memory_space<vmem>>) semaphore(%arg16 : memref<!tpu.dma_semaphore, #tpu.memory_space<semaphore_mem>>)
    %dma_wait3A = arith.constant 0 : i32
    %dma_wait3A_20 = arith.constant 0 : i32
    %dma_wait3A_21 = tpu.memref_slice %arg12[%dma_wait3A, %dma_wait3A_20] : memref<128x128xf32, #tpu.memory_space<vmem>> -> memref<16x128xf32, #tpu.memory_space<vmem>>
    %dma_wait3A_22 = arith.constant 0 : i32
    %dma_wait3A_23 = tpu.memref_slice %arg8[%dma_wait3A_22] : memref<384xi32, #tpu.memory_space<vmem>> -> memref<16xi32, #tpu.memory_space<vmem>>
    %dma_wait3A_24 = arith.constant 0 : i32
    %dma_wait3A_25 = arith.constant 0 : i32
    %dma_wait3A_26 = tpu.memref_slice %arg2[%dma_wait3A_24, %dma_wait3A_25] : memref<10000x128xf32, #tpu.memory_space<hbm>> -> memref<10000x128xf32, #tpu.memory_space<hbm>>
    tpu.wait_indirect_dma semaphore(%arg16 : memref<!tpu.dma_semaphore, #tpu.memory_space<semaphore_mem>>) src(%dma_wait3A_26 : memref<10000x128xf32, #tpu.memory_space<hbm>>) dst(%dma_wait3A_21 : memref<16x128xf32, #tpu.memory_space<vmem>>)
    "tpu.region"() ({
      %run_scoped3A = tpu.sem_alloc : memref<!tpu.dma_semaphore, #tpu.memory_space<semaphore_mem>>
      %dma_start3A_28 = arith.constant 0 : i32
      %dma_start3A_29 = arith.constant 0 : i32
      %dma_start3A_30 = tpu.memref_slice %arg12[%dma_start3A_28, %dma_start3A_29] : memref<128x128xf32, #tpu.memory_space<vmem>> -> memref<16x128xf32, #tpu.memory_space<vmem>>
      %dma_start3A_31 = arith.constant 0 : i32
      %dma_start3A_32 = arith.constant 0 : i32
      %dma_start3A_33 = tpu.memref_slice %arg7[%dma_start3A_31, %dma_start3A_32] : memref<10112x128xf32, #tpu.memory_space<vmem_shared>> -> memref<10112x128xf32, #tpu.memory_space<vmem_shared>>
      tpu.enqueue_indirect_dma source(%dma_start3A_30 : memref<16x128xf32, #tpu.memory_space<vmem>>) target(%dma_start3A_33 : memref<10112x128xf32, #tpu.memory_space<vmem_shared>>) offsets(%arg15 : memref<16xi32, #tpu.memory_space<vmem>>) semaphore(%run_scoped3A : memref<!tpu.dma_semaphore, #tpu.memory_space<semaphore_mem>>) {add = true}
      %dma_wait3A_34 = arith.constant 0 : i32
      %dma_wait3A_35 = arith.constant 0 : i32
      %dma_wait3A_36 = tpu.memref_slice %arg12[%dma_wait3A_34, %dma_wait3A_35] : memref<128x128xf32, #tpu.memory_space<vmem>> -> memref<16x128xf32, #tpu.memory_space<vmem>>
      %dma_wait3A_37 = arith.constant 0 : i32
      %dma_wait3A_38 = arith.constant 0 : i32
      %dma_wait3A_39 = tpu.memref_slice %arg7[%dma_wait3A_37, %dma_wait3A_38] : memref<10112x128xf32, #tpu.memory_space<vmem_shared>> -> memref<10112x128xf32, #tpu.memory_space<vmem_shared>>
      tpu.wait_indirect_dma semaphore(%run_scoped3A : memref<!tpu.dma_semaphore, #tpu.memory_space<semaphore_mem>>) src(%dma_wait3A_36 : memref<16x128xf32, #tpu.memory_space<vmem>>) dst(%dma_wait3A_39 : memref<10112x128xf32, #tpu.memory_space<vmem_shared>>)
      tpu.yield
    }) : () -> ()
    %barrier3A_27 = arith.constant 0 : index
    tpu.barrier barrier_id(%barrier3A_27)
    "tpu.region"() ({
      %run_scoped3A = tpu.sem_alloc : memref<!tpu.dma_semaphore, #tpu.memory_space<semaphore_mem>>
      %dma_start3A_28 = arith.constant 0 : i32
      %dma_start3A_29 = tpu.memref_slice %arg6[%arg0, %mul3A_4, %dma_start3A_28] : memref<2x10112x128xf32, #tpu.memory_space<hbm>> -> memref<1x632x128xf32, #tpu.memory_space<hbm>>
      %dma_start3A_30 = tpu.memref_squeeze %dma_start3A_29 : memref<1x632x128xf32, #tpu.memory_space<hbm>> -> memref<632x128xf32, #tpu.memory_space<hbm>>
      %dma_start3A_31 = arith.constant 0 : i32
      %dma_start3A_32 = tpu.memref_slice %arg7[%mul3A_4, %dma_start3A_31] : memref<10112x128xf32, #tpu.memory_space<vmem_shared>> -> memref<632x128xf32, #tpu.memory_space<vmem_shared>>
      tpu.enqueue_dma source(%dma_start3A_32 : memref<632x128xf32, #tpu.memory_space<vmem_shared>>) target(%dma_start3A_30 : memref<632x128xf32, #tpu.memory_space<hbm>>) target_semaphore(%run_scoped3A : memref<!tpu.dma_semaphore, #tpu.memory_space<semaphore_mem>>)
      %dma_wait3A_33 = arith.constant 0 : i32
      %dma_wait3A_34 = tpu.memref_slice %arg6[%arg0, %mul3A_4, %dma_wait3A_33] : memref<2x10112x128xf32, #tpu.memory_space<hbm>> -> memref<1x632x128xf32, #tpu.memory_space<hbm>>
      %dma_wait3A_35 = tpu.memref_squeeze %dma_wait3A_34 : memref<1x632x128xf32, #tpu.memory_space<hbm>> -> memref<632x128xf32, #tpu.memory_space<hbm>>
      %dma_wait3A_36 = arith.constant 0 : i32
      %dma_wait3A_37 = tpu.memref_slice %arg7[%mul3A_4, %dma_wait3A_36] : memref<10112x128xf32, #tpu.memory_space<vmem_shared>> -> memref<632x128xf32, #tpu.memory_space<vmem_shared>>
      tpu.wait_dma2 semaphore(%run_scoped3A : memref<!tpu.dma_semaphore, #tpu.memory_space<semaphore_mem>>) src(%dma_wait3A_37 : memref<632x128xf32, #tpu.memory_space<vmem_shared>>) dst(%dma_wait3A_35 : memref<632x128xf32, #tpu.memory_space<hbm>>)
      tpu.yield
    }) : () -> ()
    return
  }
}

module attributes {stable_mosaic.version = 14 : i64} {
  func.func @_proj_body(%arg0: i32, %arg1: memref<1000x128xf32, #tpu.memory_space<vmem>>, %arg2: memref<128x128xf32, #tpu.memory_space<vmem>>, %arg3: memref<1x128xf32, #tpu.memory_space<vmem>>, %arg4: memref<1000x128xf32, #tpu.memory_space<vmem>>, %arg5: memref<1000x128xf32, #tpu.memory_space<vmem>>) attributes {dimension_semantics = [#tpu.dimension_semantics<arbitrary>], iteration_bounds = array<i64: 10>, scalar_prefetch = 0 : i64, scratch_operands = 0 : i64, tpu.core_type = #tpu.core_type<tc>, window_params = [{transform_indices = @transform_0, window_bounds = array<i64: 1000, 128>}, {pipeline_mode = #tpu.pipeline_mode<synchronous>, transform_indices = @transform_1, window_bounds = array<i64: 128, 128>}, {pipeline_mode = #tpu.pipeline_mode<synchronous>, transform_indices = @transform_2, window_bounds = array<i64: 1, 128>}, {transform_indices = @transform_3, window_bounds = array<i64: 1000, 128>}, {transform_indices = @transform_4, window_bounds = array<i64: 1000, 128>}]} {
    %get3A = arith.constant 0 : index
    %get3A_0 = arith.constant 0 : index
    %get3A_1 = vector.load %arg1[%get3A, %get3A_0] : memref<1000x128xf32, #tpu.memory_space<vmem>>, vector<1000x128xf32>
    %get3A_2 = arith.constant 0 : index
    %get3A_3 = arith.constant 0 : index
    %get3A_4 = vector.load %arg2[%get3A_2, %get3A_3] : memref<128x128xf32, #tpu.memory_space<vmem>>, vector<128x128xf32>
    %dot_general3A = arith.constant dense<0.000000e+00> : vector<1000x128xf32>
    %dot_general3A_5 = tpu.matmul %get3A_1, %get3A_4, %dot_general3A {dimension_numbers = #tpu.dot_dimension_numbers<[1], [0], [0], [1], [0, 0, 1, 1], [], []>, precision = #tpu.contract_precision<fp32>, transpose_lhs_hint = false} : vector<1000x128xf32>, vector<128x128xf32>, vector<1000x128xf32> -> vector<1000x128xf32>
    %get3A_6 = arith.constant 0 : index
    %get3A_7 = arith.constant 0 : index
    %get3A_8 = vector.load %arg3[%get3A_6, %get3A_7] : memref<1x128xf32, #tpu.memory_space<vmem>>, vector<1x128xf32>
    %add3A = vector.broadcast %get3A_8 : vector<1x128xf32> to vector<1000x128xf32>
    %add3A_9 = arith.addf %dot_general3A_5, %add3A : vector<1000x128xf32>
    %swap3A = arith.constant 0 : index
    %swap3A_10 = arith.constant 0 : index
    %swap3A_11 = vector.load %arg4[%swap3A, %swap3A_10] : memref<1000x128xf32, #tpu.memory_space<vmem>>, vector<1000x128xf32>
    tpu.vector_store %arg4[%swap3A, %swap3A_10], %add3A_9 {strides = array<i32>} : memref<1000x128xf32, #tpu.memory_space<vmem>>, vector<1000x128xf32>,
    %exp3A = math.exp %add3A_9 : vector<1000x128xf32>
    %swap3A_12 = arith.constant 0 : index
    %swap3A_13 = arith.constant 0 : index
    %swap3A_14 = vector.load %arg5[%swap3A_12, %swap3A_13] : memref<1000x128xf32, #tpu.memory_space<vmem>>, vector<1000x128xf32>
    tpu.vector_store %arg5[%swap3A_12, %swap3A_13], %exp3A {strides = array<i32>} : memref<1000x128xf32, #tpu.memory_space<vmem>>, vector<1000x128xf32>,
    return
  }
  func.func @transform_0(%arg0: i32) -> (i32, i32) {
    %c0_i32 = arith.constant 0 : i32
    %c0_i32_0 = arith.constant 0 : i32
    return %arg0, %c0_i32 : i32, i32
  }
  func.func @transform_1(%arg0: i32) -> (i32, i32) {
    %c0_i32 = arith.constant 0 : i32
    %c0_i32_0 = arith.constant 0 : i32
    %c0_i32_1 = arith.constant 0 : i32
    return %c0_i32, %c0_i32_0 : i32, i32
  }
  func.func @transform_2(%arg0: i32) -> (i32, i32) {
    %c0_i32 = arith.constant 0 : i32
    %c0_i32_0 = arith.constant 0 : i32
    %c0_i32_1 = arith.constant 0 : i32
    return %c0_i32, %c0_i32_0 : i32, i32
  }
  func.func @transform_3(%arg0: i32) -> (i32, i32) {
    %c0_i32 = arith.constant 0 : i32
    %c0_i32_0 = arith.constant 0 : i32
    return %arg0, %c0_i32 : i32, i32
  }
  func.func @transform_4(%arg0: i32) -> (i32, i32) {
    %c0_i32 = arith.constant 0 : i32
    %c0_i32_0 = arith.constant 0 : i32
    return %arg0, %c0_i32 : i32, i32
  }
}

module attributes {stable_mosaic.version = 14 : i64} {
  func.func @_dense_body(%arg0: i32, %arg1: memref<1000x128xf32, #tpu.memory_space<vmem>>, %arg2: memref<1000x128xf32, #tpu.memory_space<vmem>>, %arg3: memref<1000x128xf32, #tpu.memory_space<vmem>>, %arg4: memref<128x128xf32, #tpu.memory_space<vmem>>, %arg5: memref<128x128xf32, #tpu.memory_space<vmem>>, %arg6: memref<1x128xf32, #tpu.memory_space<vmem>>, %arg7: memref<1x128xf32, #tpu.memory_space<vmem>>, %arg8: memref<1x128xf32, #tpu.memory_space<vmem>>, %arg9: memref<1000x128xf32, #tpu.memory_space<vmem>>, %arg10: memref<1000x128xf32, #tpu.memory_space<vmem>>) attributes {dimension_semantics = [#tpu.dimension_semantics<arbitrary>], iteration_bounds = array<i64: 10>, scalar_prefetch = 0 : i64, scratch_operands = 0 : i64, tpu.core_type = #tpu.core_type<tc>, window_params = [{transform_indices = @transform_0, window_bounds = array<i64: 1000, 128>}, {transform_indices = @transform_1, window_bounds = array<i64: 1000, 128>}, {transform_indices = @transform_2, window_bounds = array<i64: 1000, 128>}, {pipeline_mode = #tpu.pipeline_mode<synchronous>, transform_indices = @transform_3, window_bounds = array<i64: 128, 128>}, {pipeline_mode = #tpu.pipeline_mode<synchronous>, transform_indices = @transform_4, window_bounds = array<i64: 128, 128>}, {pipeline_mode = #tpu.pipeline_mode<synchronous>, transform_indices = @transform_5, window_bounds = array<i64: 1, 128>}, {pipeline_mode = #tpu.pipeline_mode<synchronous>, transform_indices = @transform_6, window_bounds = array<i64: 1, 128>}, {pipeline_mode = #tpu.pipeline_mode<synchronous>, transform_indices = @transform_7, window_bounds = array<i64: 1, 128>}, {transform_indices = @transform_8, window_bounds = array<i64: 1000, 128>}, {transform_indices = @transform_9, window_bounds = array<i64: 1000, 128>}]} {
    %get3A = arith.constant 0 : index
    %get3A_0 = arith.constant 0 : index
    %get3A_1 = vector.load %arg1[%get3A, %get3A_0] : memref<1000x128xf32, #tpu.memory_space<vmem>>, vector<1000x128xf32>
    %get3A_2 = arith.constant 0 : index
    %get3A_3 = arith.constant 0 : index
    %get3A_4 = vector.load %arg2[%get3A_2, %get3A_3] : memref<1000x128xf32, #tpu.memory_space<vmem>>, vector<1000x128xf32>
    %get3A_5 = arith.constant 0 : index
    %get3A_6 = arith.constant 0 : index
    %get3A_7 = vector.load %arg3[%get3A_5, %get3A_6] : memref<1000x128xf32, #tpu.memory_space<vmem>>, vector<1000x128xf32>
    %add3A = arith.addf %get3A_4, %get3A_7 : vector<1000x128xf32>
    %gt3A = arith.constant 0.000000e+00 : f32
    %gt3A_8 = vector.broadcast %gt3A : f32 to vector<1000x128xf32>
    %gt3A_9 = arith.cmpf ogt, %add3A, %gt3A_8 : vector<1000x128xf32>
    %max3A = arith.constant 1.000000e-30 : f32
    %max3A_10 = vector.broadcast %max3A : f32 to vector<1000x128xf32>
    %max3A_11 = arith.maximumf %add3A, %max3A_10 : vector<1000x128xf32>
    %log3A = math.log %max3A_11 : vector<1000x128xf32>
    %jit3A = arith.constant 0.000000e+00 : f32
    %broadcast_in_dim3A = vector.broadcast %jit3A : f32 to vector<1000x128xf32>
    %select_n3A = arith.select %gt3A_9, %log3A, %broadcast_in_dim3A : vector<1000x128xi1>, vector<1000x128xf32>
    %get3A_12 = arith.constant 0 : index
    %get3A_13 = arith.constant 0 : index
    %get3A_14 = vector.load %arg4[%get3A_12, %get3A_13] : memref<128x128xf32, #tpu.memory_space<vmem>>, vector<128x128xf32>
    %dot_general3A = arith.constant dense<0.000000e+00> : vector<1000x128xf32>
    %dot_general3A_15 = tpu.matmul %get3A_1, %get3A_14, %dot_general3A {dimension_numbers = #tpu.dot_dimension_numbers<[1], [0], [0], [1], [0, 0, 1, 1], [], []>, precision = #tpu.contract_precision<fp32>, transpose_lhs_hint = false} : vector<1000x128xf32>, vector<128x128xf32>, vector<1000x128xf32> -> vector<1000x128xf32>
    %get3A_16 = arith.constant 0 : index
    %get3A_17 = arith.constant 0 : index
    %get3A_18 = vector.load %arg5[%get3A_16, %get3A_17] : memref<128x128xf32, #tpu.memory_space<vmem>>, vector<128x128xf32>
    %dot_general3A_19 = arith.constant dense<0.000000e+00> : vector<1000x128xf32>
    %dot_general3A_20 = tpu.matmul %select_n3A, %get3A_18, %dot_general3A_19 {dimension_numbers = #tpu.dot_dimension_numbers<[1], [0], [0], [1], [0, 0, 1, 1], [], []>, precision = #tpu.contract_precision<fp32>, transpose_lhs_hint = false} : vector<1000x128xf32>, vector<128x128xf32>, vector<1000x128xf32> -> vector<1000x128xf32>
    %add3A_21 = arith.addf %dot_general3A_15, %dot_general3A_20 : vector<1000x128xf32>
    %get3A_22 = arith.constant 0 : index
    %get3A_23 = arith.constant 0 : index
    %get3A_24 = vector.load %arg6[%get3A_22, %get3A_23] : memref<1x128xf32, #tpu.memory_space<vmem>>, vector<1x128xf32>
    %add3A_25 = vector.broadcast %get3A_24 : vector<1x128xf32> to vector<1000x128xf32>
    %add3A_26 = arith.addf %add3A_21, %add3A_25 : vector<1000x128xf32>
    %reduce_sum3A = arith.constant dense<0.000000e+00> : vector<1000xf32>
    %reduce_sum3A_27 = vector.multi_reduction <add>, %add3A_26, %reduce_sum3A [1] : vector<1000x128xf32> to vector<1000xf32>
    %broadcast_in_dim3A_28 = vector.shape_cast %reduce_sum3A_27 : vector<1000xf32> to vector<1000x1xf32>
    %div3A = arith.constant 1.280000e+02 : f32
    %div3A_29 = vector.broadcast %div3A : f32 to vector<1000x1xf32>
    %div3A_30 = arith.divf %broadcast_in_dim3A_28, %div3A_29 : vector<1000x1xf32>
    %sub3A = vector.broadcast %div3A_30 : vector<1000x1xf32> to vector<1000x128xf32>
    %sub3A_31 = arith.subf %add3A_26, %sub3A : vector<1000x128xf32>
    %integer_pow3A = arith.mulf %sub3A_31, %sub3A_31 : vector<1000x128xf32>
    %reduce_sum3A_32 = arith.constant dense<0.000000e+00> : vector<1000xf32>
    %reduce_sum3A_33 = vector.multi_reduction <add>, %integer_pow3A, %reduce_sum3A_32 [1] : vector<1000x128xf32> to vector<1000xf32>
    %broadcast_in_dim3A_34 = vector.shape_cast %reduce_sum3A_33 : vector<1000xf32> to vector<1000x1xf32>
    %div3A_35 = arith.constant 1.280000e+02 : f32
    %div3A_36 = vector.broadcast %div3A_35 : f32 to vector<1000x1xf32>
    %div3A_37 = arith.divf %broadcast_in_dim3A_34, %div3A_36 : vector<1000x1xf32>
    %sub3A_38 = vector.broadcast %div3A_30 : vector<1000x1xf32> to vector<1000x128xf32>
    %sub3A_39 = arith.subf %add3A_26, %sub3A_38 : vector<1000x128xf32>
    %add3A_40 = arith.constant 9.99999974E-6 : f32
    %add3A_41 = vector.broadcast %add3A_40 : f32 to vector<1000x1xf32>
    %add3A_42 = arith.addf %div3A_37, %add3A_41 : vector<1000x1xf32>
    %sqrt3A = math.sqrt %add3A_42 : vector<1000x1xf32>
    %div3A_43 = vector.broadcast %sqrt3A : vector<1000x1xf32> to vector<1000x128xf32>
    %div3A_44 = arith.divf %sub3A_39, %div3A_43 : vector<1000x128xf32>
    %get3A_45 = arith.constant 0 : index
    %get3A_46 = arith.constant 0 : index
    %get3A_47 = vector.load %arg7[%get3A_45, %get3A_46] : memref<1x128xf32, #tpu.memory_space<vmem>>, vector<1x128xf32>
    %mul3A = vector.broadcast %get3A_47 : vector<1x128xf32> to vector<1000x128xf32>
    %mul3A_48 = arith.mulf %div3A_44, %mul3A : vector<1000x128xf32>
    %get3A_49 = arith.constant 0 : index
    %get3A_50 = arith.constant 0 : index
    %get3A_51 = vector.load %arg8[%get3A_49, %get3A_50] : memref<1x128xf32, #tpu.memory_space<vmem>>, vector<1x128xf32>
    %add3A_52 = vector.broadcast %get3A_51 : vector<1x128xf32> to vector<1000x128xf32>
    %add3A_53 = arith.addf %mul3A_48, %add3A_52 : vector<1000x128xf32>
    %max3A_54 = arith.constant 0.000000e+00 : f32
    %max3A_55 = vector.broadcast %max3A_54 : f32 to vector<1000x128xf32>
    %max3A_56 = arith.maximumf %add3A_53, %max3A_55 : vector<1000x128xf32>
    %mul3A_57 = arith.constant 5.000000e-01 : f32
    %mul3A_58 = vector.broadcast %mul3A_57 : f32 to vector<1000x128xf32>
    %mul3A_59 = arith.mulf %mul3A_58, %get3A_1 : vector<1000x128xf32>
    %mul3A_60 = arith.constant 5.000000e-01 : f32
    %mul3A_61 = vector.broadcast %mul3A_60 : f32 to vector<1000x128xf32>
    %mul3A_62 = arith.mulf %mul3A_61, %max3A_56 : vector<1000x128xf32>
    %add3A_63 = arith.addf %mul3A_59, %mul3A_62 : vector<1000x128xf32>
    %swap3A = arith.constant 0 : index
    %swap3A_64 = arith.constant 0 : index
    %swap3A_65 = vector.load %arg9[%swap3A, %swap3A_64] : memref<1000x128xf32, #tpu.memory_space<vmem>>, vector<1000x128xf32>
    tpu.vector_store %arg9[%swap3A, %swap3A_64], %add3A_63 {strides = array<i32>} : memref<1000x128xf32, #tpu.memory_space<vmem>>, vector<1000x128xf32>,
    %exp3A = math.exp %add3A_63 : vector<1000x128xf32>
    %swap3A_66 = arith.constant 0 : index
    %swap3A_67 = arith.constant 0 : index
    %swap3A_68 = vector.load %arg10[%swap3A_66, %swap3A_67] : memref<1000x128xf32, #tpu.memory_space<vmem>>, vector<1000x128xf32>
    tpu.vector_store %arg10[%swap3A_66, %swap3A_67], %exp3A {strides = array<i32>} : memref<1000x128xf32, #tpu.memory_space<vmem>>, vector<1000x128xf32>,
    return
  }
  func.func @transform_0(%arg0: i32) -> (i32, i32) {
    %c0_i32 = arith.constant 0 : i32
    %c0_i32_0 = arith.constant 0 : i32
    return %arg0, %c0_i32 : i32, i32
  }
  func.func @transform_1(%arg0: i32) -> (i32, i32) {
    %c0_i32 = arith.constant 0 : i32
    %c0_i32_0 = arith.constant 0 : i32
    return %arg0, %c0_i32 : i32, i32
  }
  func.func @transform_2(%arg0: i32) -> (i32, i32) {
    %c0_i32 = arith.constant 0 : i32
    %c0_i32_0 = arith.constant 0 : i32
    return %arg0, %c0_i32 : i32, i32
  }
  func.func @transform_3(%arg0: i32) -> (i32, i32) {
    %c0_i32 = arith.constant 0 : i32
    %c0_i32_0 = arith.constant 0 : i32
    %c0_i32_1 = arith.constant 0 : i32
    return %c0_i32, %c0_i32_0 : i32, i32
  }
  func.func @transform_4(%arg0: i32) -> (i32, i32) {
    %c0_i32 = arith.constant 0 : i32
    %c0_i32_0 = arith.constant 0 : i32
    %c0_i32_1 = arith.constant 0 : i32
    return %c0_i32, %c0_i32_0 : i32, i32
  }
  func.func @transform_5(%arg0: i32) -> (i32, i32) {
    %c0_i32 = arith.constant 0 : i32
    %c0_i32_0 = arith.constant 0 : i32
    %c0_i32_1 = arith.constant 0 : i32
    return %c0_i32, %c0_i32_0 : i32, i32
  }
  func.func @transform_6(%arg0: i32) -> (i32, i32) {
    %c0_i32 = arith.constant 0 : i32
    %c0_i32_0 = arith.constant 0 : i32
    %c0_i32_1 = arith.constant 0 : i32
    return %c0_i32, %c0_i32_0 : i32, i32
  }
  func.func @transform_7(%arg0: i32) -> (i32, i32) {
    %c0_i32 = arith.constant 0 : i32
    %c0_i32_0 = arith.constant 0 : i32
    %c0_i32_1 = arith.constant 0 : i32
    return %c0_i32, %c0_i32_0 : i32, i32
  }
  func.func @transform_8(%arg0: i32) -> (i32, i32) {
    %c0_i32 = arith.constant 0 : i32
    %c0_i32_0 = arith.constant 0 : i32
    return %arg0, %c0_i32 : i32, i32
  }
  func.func @transform_9(%arg0: i32) -> (i32, i32) {
    %c0_i32 = arith.constant 0 : i32
    %c0_i32_0 = arith.constant 0 : i32
    return %arg0, %c0_i32 : i32, i32
  }
}

module attributes {stable_mosaic.version = 14 : i64} {
  func.func @_dense_body(%arg0: i32, %arg1: memref<1000x128xf32, #tpu.memory_space<vmem>>, %arg2: memref<1000x128xf32, #tpu.memory_space<vmem>>, %arg3: memref<1000x128xf32, #tpu.memory_space<vmem>>, %arg4: memref<128x128xf32, #tpu.memory_space<vmem>>, %arg5: memref<128x128xf32, #tpu.memory_space<vmem>>, %arg6: memref<1x128xf32, #tpu.memory_space<vmem>>, %arg7: memref<1x128xf32, #tpu.memory_space<vmem>>, %arg8: memref<1x128xf32, #tpu.memory_space<vmem>>, %arg9: memref<1000x128xf32, #tpu.memory_space<vmem>>, %arg10: memref<1000x128xf32, #tpu.memory_space<vmem>>) attributes {dimension_semantics = [#tpu.dimension_semantics<arbitrary>], iteration_bounds = array<i64: 10>, scalar_prefetch = 0 : i64, scratch_operands = 0 : i64, tpu.core_type = #tpu.core_type<tc>, window_params = [{transform_indices = @transform_0, window_bounds = array<i64: 1000, 128>}, {transform_indices = @transform_1, window_bounds = array<i64: 1000, 128>}, {transform_indices = @transform_2, window_bounds = array<i64: 1000, 128>}, {pipeline_mode = #tpu.pipeline_mode<synchronous>, transform_indices = @transform_3, window_bounds = array<i64: 128, 128>}, {pipeline_mode = #tpu.pipeline_mode<synchronous>, transform_indices = @transform_4, window_bounds = array<i64: 128, 128>}, {pipeline_mode = #tpu.pipeline_mode<synchronous>, transform_indices = @transform_5, window_bounds = array<i64: 1, 128>}, {pipeline_mode = #tpu.pipeline_mode<synchronous>, transform_indices = @transform_6, window_bounds = array<i64: 1, 128>}, {pipeline_mode = #tpu.pipeline_mode<synchronous>, transform_indices = @transform_7, window_bounds = array<i64: 1, 128>}, {transform_indices = @transform_8, window_bounds = array<i64: 1000, 128>}, {transform_indices = @transform_9, window_bounds = array<i64: 1000, 128>}]} {
    %get3A = arith.constant 0 : index
    %get3A_0 = arith.constant 0 : index
    %get3A_1 = vector.load %arg1[%get3A, %get3A_0] : memref<1000x128xf32, #tpu.memory_space<vmem>>, vector<1000x128xf32>
    %get3A_2 = arith.constant 0 : index
    %get3A_3 = arith.constant 0 : index
    %get3A_4 = vector.load %arg2[%get3A_2, %get3A_3] : memref<1000x128xf32, #tpu.memory_space<vmem>>, vector<1000x128xf32>
    %get3A_5 = arith.constant 0 : index
    %get3A_6 = arith.constant 0 : index
    %get3A_7 = vector.load %arg3[%get3A_5, %get3A_6] : memref<1000x128xf32, #tpu.memory_space<vmem>>, vector<1000x128xf32>
    %add3A = arith.addf %get3A_4, %get3A_7 : vector<1000x128xf32>
    %gt3A = arith.constant 0.000000e+00 : f32
    %gt3A_8 = vector.broadcast %gt3A : f32 to vector<1000x128xf32>
    %gt3A_9 = arith.cmpf ogt, %add3A, %gt3A_8 : vector<1000x128xf32>
    %max3A = arith.constant 1.000000e-30 : f32
    %max3A_10 = vector.broadcast %max3A : f32 to vector<1000x128xf32>
    %max3A_11 = arith.maximumf %add3A, %max3A_10 : vector<1000x128xf32>
    %log3A = math.log %max3A_11 : vector<1000x128xf32>
    %jit3A = arith.constant 0.000000e+00 : f32
    %broadcast_in_dim3A = vector.broadcast %jit3A : f32 to vector<1000x128xf32>
    %select_n3A = arith.select %gt3A_9, %log3A, %broadcast_in_dim3A : vector<1000x128xi1>, vector<1000x128xf32>
    %get3A_12 = arith.constant 0 : index
    %get3A_13 = arith.constant 0 : index
    %get3A_14 = vector.load %arg4[%get3A_12, %get3A_13] : memref<128x128xf32, #tpu.memory_space<vmem>>, vector<128x128xf32>
    %dot_general3A = arith.constant dense<0.000000e+00> : vector<1000x128xf32>
    %dot_general3A_15 = tpu.matmul %get3A_1, %get3A_14, %dot_general3A {dimension_numbers = #tpu.dot_dimension_numbers<[1], [0], [0], [1], [0, 0, 1, 1], [], []>, precision = #tpu.contract_precision<fp32>, transpose_lhs_hint = false} : vector<1000x128xf32>, vector<128x128xf32>, vector<1000x128xf32> -> vector<1000x128xf32>
    %get3A_16 = arith.constant 0 : index
    %get3A_17 = arith.constant 0 : index
    %get3A_18 = vector.load %arg5[%get3A_16, %get3A_17] : memref<128x128xf32, #tpu.memory_space<vmem>>, vector<128x128xf32>
    %dot_general3A_19 = arith.constant dense<0.000000e+00> : vector<1000x128xf32>
    %dot_general3A_20 = tpu.matmul %select_n3A, %get3A_18, %dot_general3A_19 {dimension_numbers = #tpu.dot_dimension_numbers<[1], [0], [0], [1], [0, 0, 1, 1], [], []>, precision = #tpu.contract_precision<fp32>, transpose_lhs_hint = false} : vector<1000x128xf32>, vector<128x128xf32>, vector<1000x128xf32> -> vector<1000x128xf32>
    %add3A_21 = arith.addf %dot_general3A_15, %dot_general3A_20 : vector<1000x128xf32>
    %get3A_22 = arith.constant 0 : index
    %get3A_23 = arith.constant 0 : index
    %get3A_24 = vector.load %arg6[%get3A_22, %get3A_23] : memref<1x128xf32, #tpu.memory_space<vmem>>, vector<1x128xf32>
    %add3A_25 = vector.broadcast %get3A_24 : vector<1x128xf32> to vector<1000x128xf32>
    %add3A_26 = arith.addf %add3A_21, %add3A_25 : vector<1000x128xf32>
    %reduce_sum3A = arith.constant dense<0.000000e+00> : vector<1000xf32>
    %reduce_sum3A_27 = vector.multi_reduction <add>, %add3A_26, %reduce_sum3A [1] : vector<1000x128xf32> to vector<1000xf32>
    %broadcast_in_dim3A_28 = vector.shape_cast %reduce_sum3A_27 : vector<1000xf32> to vector<1000x1xf32>
    %div3A = arith.constant 1.280000e+02 : f32
    %div3A_29 = vector.broadcast %div3A : f32 to vector<1000x1xf32>
    %div3A_30 = arith.divf %broadcast_in_dim3A_28, %div3A_29 : vector<1000x1xf32>
    %sub3A = vector.broadcast %div3A_30 : vector<1000x1xf32> to vector<1000x128xf32>
    %sub3A_31 = arith.subf %add3A_26, %sub3A : vector<1000x128xf32>
    %integer_pow3A = arith.mulf %sub3A_31, %sub3A_31 : vector<1000x128xf32>
    %reduce_sum3A_32 = arith.constant dense<0.000000e+00> : vector<1000xf32>
    %reduce_sum3A_33 = vector.multi_reduction <add>, %integer_pow3A, %reduce_sum3A_32 [1] : vector<1000x128xf32> to vector<1000xf32>
    %broadcast_in_dim3A_34 = vector.shape_cast %reduce_sum3A_33 : vector<1000xf32> to vector<1000x1xf32>
    %div3A_35 = arith.constant 1.280000e+02 : f32
    %div3A_36 = vector.broadcast %div3A_35 : f32 to vector<1000x1xf32>
    %div3A_37 = arith.divf %broadcast_in_dim3A_34, %div3A_36 : vector<1000x1xf32>
    %sub3A_38 = vector.broadcast %div3A_30 : vector<1000x1xf32> to vector<1000x128xf32>
    %sub3A_39 = arith.subf %add3A_26, %sub3A_38 : vector<1000x128xf32>
    %add3A_40 = arith.constant 9.99999974E-6 : f32
    %add3A_41 = vector.broadcast %add3A_40 : f32 to vector<1000x1xf32>
    %add3A_42 = arith.addf %div3A_37, %add3A_41 : vector<1000x1xf32>
    %sqrt3A = math.sqrt %add3A_42 : vector<1000x1xf32>
    %div3A_43 = vector.broadcast %sqrt3A : vector<1000x1xf32> to vector<1000x128xf32>
    %div3A_44 = arith.divf %sub3A_39, %div3A_43 : vector<1000x128xf32>
    %get3A_45 = arith.constant 0 : index
    %get3A_46 = arith.constant 0 : index
    %get3A_47 = vector.load %arg7[%get3A_45, %get3A_46] : memref<1x128xf32, #tpu.memory_space<vmem>>, vector<1x128xf32>
    %mul3A = vector.broadcast %get3A_47 : vector<1x128xf32> to vector<1000x128xf32>
    %mul3A_48 = arith.mulf %div3A_44, %mul3A : vector<1000x128xf32>
    %get3A_49 = arith.constant 0 : index
    %get3A_50 = arith.constant 0 : index
    %get3A_51 = vector.load %arg8[%get3A_49, %get3A_50] : memref<1x128xf32, #tpu.memory_space<vmem>>, vector<1x128xf32>
    %add3A_52 = vector.broadcast %get3A_51 : vector<1x128xf32> to vector<1000x128xf32>
    %add3A_53 = arith.addf %mul3A_48, %add3A_52 : vector<1000x128xf32>
    %max3A_54 = arith.constant 0.000000e+00 : f32
    %max3A_55 = vector.broadcast %max3A_54 : f32 to vector<1000x128xf32>
    %max3A_56 = arith.maximumf %add3A_53, %max3A_55 : vector<1000x128xf32>
    %mul3A_57 = arith.constant 5.000000e-01 : f32
    %mul3A_58 = vector.broadcast %mul3A_57 : f32 to vector<1000x128xf32>
    %mul3A_59 = arith.mulf %mul3A_58, %get3A_1 : vector<1000x128xf32>
    %mul3A_60 = arith.constant 5.000000e-01 : f32
    %mul3A_61 = vector.broadcast %mul3A_60 : f32 to vector<1000x128xf32>
    %mul3A_62 = arith.mulf %mul3A_61, %max3A_56 : vector<1000x128xf32>
    %add3A_63 = arith.addf %mul3A_59, %mul3A_62 : vector<1000x128xf32>
    %swap3A = arith.constant 0 : index
    %swap3A_64 = arith.constant 0 : index
    %swap3A_65 = vector.load %arg9[%swap3A, %swap3A_64] : memref<1000x128xf32, #tpu.memory_space<vmem>>, vector<1000x128xf32>
    tpu.vector_store %arg9[%swap3A, %swap3A_64], %add3A_63 {strides = array<i32>} : memref<1000x128xf32, #tpu.memory_space<vmem>>, vector<1000x128xf32>,
    %exp3A = math.exp %add3A_63 : vector<1000x128xf32>
    %swap3A_66 = arith.constant 0 : index
    %swap3A_67 = arith.constant 0 : index
    %swap3A_68 = vector.load %arg10[%swap3A_66, %swap3A_67] : memref<1000x128xf32, #tpu.memory_space<vmem>>, vector<1000x128xf32>
    tpu.vector_store %arg10[%swap3A_66, %swap3A_67], %exp3A {strides = array<i32>} : memref<1000x128xf32, #tpu.memory_space<vmem>>, vector<1000x128xf32>,
    return
  }
  func.func @transform_0(%arg0: i32) -> (i32, i32) {
    %c0_i32 = arith.constant 0 : i32
    %c0_i32_0 = arith.constant 0 : i32
    return %arg0, %c0_i32 : i32, i32
  }
  func.func @transform_1(%arg0: i32) -> (i32, i32) {
    %c0_i32 = arith.constant 0 : i32
    %c0_i32_0 = arith.constant 0 : i32
    return %arg0, %c0_i32 : i32, i32
  }
  func.func @transform_2(%arg0: i32) -> (i32, i32) {
    %c0_i32 = arith.constant 0 : i32
    %c0_i32_0 = arith.constant 0 : i32
    return %arg0, %c0_i32 : i32, i32
  }
  func.func @transform_3(%arg0: i32) -> (i32, i32) {
    %c0_i32 = arith.constant 0 : i32
    %c0_i32_0 = arith.constant 0 : i32
    %c0_i32_1 = arith.constant 0 : i32
    return %c0_i32, %c0_i32_0 : i32, i32
  }
  func.func @transform_4(%arg0: i32) -> (i32, i32) {
    %c0_i32 = arith.constant 0 : i32
    %c0_i32_0 = arith.constant 0 : i32
    %c0_i32_1 = arith.constant 0 : i32
    return %c0_i32, %c0_i32_0 : i32, i32
  }
  func.func @transform_5(%arg0: i32) -> (i32, i32) {
    %c0_i32 = arith.constant 0 : i32
    %c0_i32_0 = arith.constant 0 : i32
    %c0_i32_1 = arith.constant 0 : i32
    return %c0_i32, %c0_i32_0 : i32, i32
  }
  func.func @transform_6(%arg0: i32) -> (i32, i32) {
    %c0_i32 = arith.constant 0 : i32
    %c0_i32_0 = arith.constant 0 : i32
    %c0_i32_1 = arith.constant 0 : i32
    return %c0_i32, %c0_i32_0 : i32, i32
  }
  func.func @transform_7(%arg0: i32) -> (i32, i32) {
    %c0_i32 = arith.constant 0 : i32
    %c0_i32_0 = arith.constant 0 : i32
    %c0_i32_1 = arith.constant 0 : i32
    return %c0_i32, %c0_i32_0 : i32, i32
  }
  func.func @transform_8(%arg0: i32) -> (i32, i32) {
    %c0_i32 = arith.constant 0 : i32
    %c0_i32_0 = arith.constant 0 : i32
    return %arg0, %c0_i32 : i32, i32
  }
  func.func @transform_9(%arg0: i32) -> (i32, i32) {
    %c0_i32 = arith.constant 0 : i32
    %c0_i32_0 = arith.constant 0 : i32
    return %arg0, %c0_i32 : i32, i32
  }
}

</mosaic_0001>

<sc_bundles>
// kernel: kernel.12.cloned.1.call-start
scs
__scs_entry_jumppad:
0x0: {  	(pc) =	sbr.rel $0x88, $3  }
0x1: {  	(tag) =	ssettag $0x0;
	lr =	simm.s32 $0x1  }
0x2: {  	[smem:$0x3F98] =	sst lr;
	_ =	strace $0xD0000000  }
0x3: {  	_ = 	snop  }
0x4: {  	_ = 	snop  }
0x5: {  	_ = 	snop  }
0x6: {  	_ = 	snop  }
0x7: {  	_ = 	snop  }
__scs_overlays_trampoline_lowered:
0x8: {  	[smem:$0x3FA7] =	sst s0  }
0x9: {  	[smem:$0x3FA8] =	sst s1  }
0xa: {  	[smem:$0x3FA9] =	sst s2  }
0xb: {  	[smem:$0x3FAA] =	sst s3  }
0xc: {  	[smem:$0x3FAB] =	sst s4  }
0xd: {  	[smem:$0x3FAC] =	sst s5  }
0xe: {  	[smem:$0x3FAD] =	sst s6  }
0xf: {  	[smem:$0x3FAE] =	sst s7  }
0x10: {  	[smem:$0x3FAF] =	sst s8  }
0x11: {  	[smem:$0x3FB0] =	sst s9;
	s0 =	simm.s32 @!p0 $0x0  }
0x12: {  	s1 =	sld [smem:$0x3F96];
	s0 =	simm.s32 @p0 $0x1  }
0x13: {  	[smem:$0x3FB1] =	sst s0;
	s0 =	simm.s32 @!p1 $0x0  }
0x14: {  	s2 =	sld [smem:$0x3F95];
	s0 =	simm.s32 @p1 $0x1  }
0x15: {  	[smem:$0x3FB2] =	sst s0;
	s0 =	simm.s32 @!p2 $0x0  }
0x16: {  	s3 =	sld [smem:$0x3FDB];
	s0 =	simm.s32 @p2 $0x1  }
0x17: {  	s4 =	simm.s32 $0x1BF5;
	[smem:$0x3FB4] =	sst s0  }
0x18: {  	s0 =	sld [smem:$0x3F97];
	_ =	swait.ge [sflag:s4], $0x0  }
0x19: {  	s7 =	sld [smem:$0x3F98]  }
0x1a: {  	s8 =	sadd.s32 $0xFFFFE003, lr  }
0x1b: {  	s9 =	sadd.s32 $0xFFFFFEF7, lr;
	s5 =	simm.s32 $0xFFFFFFFF;
	p2 =	slt.u32 s8, $0xFFFFF086  }
0x1c: {  	p1 =	slt.u32 s9, $0xF7A;
	s5 =	simm.s32 @!p2 $0x0  }
0x1d: {  	s5 =	simm.s32 @p1 $0x1;
	p0 =	seq.s32 s7, s2  }
0x1e: {  	s7 =	smul.u32 @!p0 $0xF7A, s2;
	p2 =	seq.s32 @!p0 s5, $0x0  }
0x1f: {  	s9 =	smul.u32 $0xF7A, s1;
	s8 =	simm.s32 @!p0 $0x1BF5;
	p2 =	por !p2, p0  }
0x20: {  	[sflag:s8] =	ssyncset.s32 @!p0 $0xFFFFF086;
	s6 =	sadd.s32 @!p0 s3, s7;
	s7 =	simm.s32 @!p0 $0x108  }
0x21: {  	s3 =	sadd.s32 s3, s9;
	s6 =	sadd.s32 @!p0 $0x88, s6;
	s7 =	simm.s32 @p2 $0x1082  }
0x22: {  	[simem:s7], [sflag:s8] =	dma.local @!p0 [hbm:s6], $0xF7A  }
0x23: {  	s9 =	sor.u32 $0xD0000000, s2;
	s6 =	simm.s32 $0x108;
	_ =	swait.ge @!p0 [sflag:s8], $0x0  }
0x24: {  	s3 =	sadd.s32 $0x88, s3;
	s6 =	simm.s32 @!p1 $0x1082;
	[sflag:s4] =	ssyncset.s32 $0xFFFFF086  }
0x25: {  	[simem:s6], [sflag:s4] =	dma.local [hbm:s3], $0xF7A  }
0x26: {  	[smem:$0x3F98] =	sst s1;
	(tag) =	ssettag s2;
	_ =	strace s9  }
0x27: {  	s1 =	sld [smem:$0x3FA8]  }
0x28: {  	s2 =	sld [smem:$0x3FA9]  }
0x29: {  	s4 =	sld [smem:$0x3FAB]  }
0x2a: {  	p0 =	seq.s32 s5, $0x0;
	s5 =	sld [smem:$0x3FAC]  }
0x2b: {  	s6 =	sld [smem:$0x3FAD]  }
0x2c: {  	s7 =	sld [smem:$0x3FAE]  }
0x2d: {  	s3 =	simm.s32 $0x108;
	s8 =	sld [smem:$0x3FAF]  }
0x2e: {  	s3 =	simm.s32 @!p0 $0x1082;
	s9 =	sld [smem:$0x3FB0]  }
0x2f: {  	lr =	sadd.s32 s0, s3;
	s0 =	sld [smem:$0x3FA7]  }
0x30: {  	s3 =	sld [smem:$0x3FAA]  }
0x31: {  	[smem:$0x3FB3] =	sst s10  }
0x32: {  	s10 =	sld [smem:$0x3FB1];
	_ =	sdelay $0x3  }
0x33: {  	p0 =	seq.s32 s10, $0x1;
	s10 =	sld [smem:$0x3FB3];
	_ =	sdelay $0x3  }
0x34: {  	[smem:$0x3FB3] =	sst s10  }
0x35: {  	s10 =	sld [smem:$0x3FB2];
	_ =	sdelay $0x3  }
0x36: {  	p1 =	seq.s32 s10, $0x1;
	s10 =	sld [smem:$0x3FB3];
	_ =	sdelay $0x3  }
0x37: {  	[smem:$0x3FB3] =	sst s10  }
0x38: {  	s10 =	sld [smem:$0x3FB4]  }
0x39: {  	_ = 	snop;
	(pc) =	sbr.ind lr, $3  }
0x3a: {  	_ = 	snop  }
0x3b: {  	_ = 	snop  }
0x3c: {  	p2 =	seq.s32 s10, $0x1;
	s10 =	sld [smem:$0x3FB3]  }
0x3d: {  	_ =	shalt  }
0x3e: {  	_ =	shalt  }
0x3f: {  	_ =	shalt  }
0x40: {  	_ =	shalt  }
0x41: {  	_ =	shalt  }
0x42: {  	_ =	shalt  }
0x43: {  	_ =	shalt  }
0x44: {  	_ =	shalt  }
0x45: {  	_ =	shalt  }
0x46: {  	_ =	shalt  }
0x47: {  	_ =	shalt  }
0x48: {  	_ =	shalt  }
0x49: {  	_ =	shalt  }
0x4a: {  	_ =	shalt  }
0x4b: {  	_ =	shalt  }
0x4c: {  	_ =	shalt  }
0x4d: {  	_ =	shalt  }
0x4e: {  	_ =	shalt  }
0x4f: {  	_ =	shalt  }
0x50: {  	_ =	shalt  }
0x51: {  	_ =	shalt  }
0x52: {  	_ =	shalt  }
0x53: {  	_ =	shalt  }
0x54: {  	_ =	shalt  }
0x55: {  	_ =	shalt  }
0x56: {  	_ =	shalt  }
0x57: {  	_ =	shalt  }
0x58: {  	_ =	shalt  }
0x59: {  	_ =	shalt  }
0x5a: {  	_ =	shalt  }
0x5b: {  	_ =	shalt  }
0x5c: {  	_ =	shalt  }
0x5d: {  	_ =	shalt  }
0x5e: {  	_ =	shalt  }
0x5f: {  	_ =	shalt  }
0x60: {  	_ =	shalt  }
0x61: {  	_ =	shalt  }
0x62: {  	_ =	shalt  }
0x63: {  	_ =	shalt  }
0x64: {  	_ =	shalt  }
0x65: {  	_ =	shalt  }
0x66: {  	_ =	shalt  }
0x67: {  	_ =	shalt  }
0x68: {  	_ =	shalt  }
0x69: {  	_ =	shalt  }
0x6a: {  	_ =	shalt  }
0x6b: {  	_ =	shalt  }
0x6c: {  	_ =	shalt  }
0x6d: {  	_ =	shalt  }
0x6e: {  	_ =	shalt  }
0x6f: {  	_ =	shalt  }
0x70: {  	_ =	shalt  }
0x71: {  	_ =	shalt  }
0x72: {  	_ =	shalt  }
0x73: {  	_ =	shalt  }
0x74: {  	_ =	shalt  }
0x75: {  	_ =	shalt  }
0x76: {  	_ =	shalt  }
0x77: {  	_ =	shalt  }
0x78: {  	_ =	shalt  }
0x79: {  	_ =	shalt  }
0x7a: {  	_ =	shalt  }
0x7b: {  	_ =	shalt  }
0x7c: {  	_ =	shalt  }
0x7d: {  	_ =	shalt  }
0x7e: {  	_ =	shalt  }
0x7f: {  	_ =	shalt  }
0x80: {  	_ =	shalt  }
0x81: {  	_ =	shalt  }
0x82: {  	_ =	shalt  }
0x83: {  	_ =	shalt  }
0x84: {  	_ =	shalt  }
0x85: {  	_ =	shalt  }
0x86: {  	_ =	shalt  }
0x87: {  	_ =	shalt  }
.Lfunc_end0:
.L_simem_size_0:
called_computation.1_lowered:
.L_overlay_start_0:
0x88: {  	s2 =	sld [smem:$0x3FD9]  }
0x89: {  	s3 =	sld [smem:$0x3FFE];
	_ =	sdelay $0x1  }
0x8a: {  	s1 =	srdreg.scid  }
0x8b: {  	s0 =	sand.u32 $0x1, s1  }
0x8c: {  	s17 =	sshll.u32 s0, $0xA;
	s2 =	sadd.s32 s3, s2  }
0x8d: {  	s2 =	sadd.s32 s2, s17  }
0x8e: {  	[smem:$0x3FBF] =	sst s2  }
0x8f: {  	_ = 	snop  }
0x90: {  	s2 =	sld [smem:$0x3FC8]  }
0x91: {  	s18 =	sld [smem:$0x3FC7]  }
0x92: {  	s4 =	sld [smem:$0x3FD0];
	(tm) =	ssettm $0x1  }
0x93: {  	s5 =	sld [smem:$0x3FFB];
	_ =	sdelay $0x3  }
0x94: {  	_ =	strace s5  }
0x95: {  	s5 =	sld [smem:$0x3FFC];
	_ =	sdelay $0x3  }
0x96: {  	_ =	strace s5  }
0x97: {  	s5 =	sld [smem:$0x3FFD];
	_ =	sdelay $0x3  }
0x98: {  	_ =	strace s5  }
0x99: {  	_ =	strace $0x8FFFFFFF  }
0x9a: {  	s19 =	sld [smem:$0x3FDB];
	_ =	sdelay $0x1  }
0x9b: {  	s6 =	simm.s32 $_scs_section_size  }
0x9c: {  	s7 =	simm.s32 $_size__tile_overlayer_lowered;
	s8 =	simm.s32 $_tile_overlayer_lowered  }
0x9d: {  	s22 =	simm.s32 $0x1BFF;
	s21 =	sshll.u32 s8, $0x1;
	s5 =	sadd.s32 s6, s19  }
0x9e: {  	s9 =	simm.s32 $0x0;
	s20 =	sshll.u32 s7, $0x1;
	s7 =	sadd.s32 s21, s5  }
0x9f: {  	[timem:s9], [sflag:s22] =	dma.local [hbm:s7], s20  }
0xa0: {  	_ =	swait.ge [sflag:s22], s20  }
0xa1: {  	s6 =	ssub.s32 $0x0, s20;
	[sflag:s22] =	ssyncset.done $0x0  }
0xa2: {  	[sflag:s22] =	ssyncadd.s32 s6;
	_ =	sdelay $0x1  }
0xa3: {  	s23 =	simm.s32 $0x1B8B  }
0xa4: {  	_ =	swait.ge [sflag:s23], $0x1  }
0xa5: {  	[sflag:s23] =	ssyncset.done $0x0  }
0xa6: {  	s25 =	simm.s32 $0x1B8E;
	s24 =	sld [smem:$0x3FFE];
	[sflag:s23] =	ssyncadd.s32 $0xFFFFFFFF  }
0xa7: {  	s26 =	simm.s32 $execute0_lowered;
	[smem:$0x3FD2] =	sst s25  }
0xa8: {  	s7 =	sshll.u32 s26, $0x1;
	_ =	strace $0x80000049;
	[dreg:$0x1] =	wrdreg $0xFFFFFFFF  }
0xa9: {  	s28 =	simm.s32 $_size_execute0_lowered;
	s5 =	sadd.s32 s5, s7;
	[dreg:$0x0] =	wrdreg $0x0  }
0xaa: {  	s7 =	sshll.u32 s28, $0x1;
	[dreg:$0x2] =	wrdreg s5  }
0xab: {  	[dreg:$0x3] =	wrdreg s7  }
0xac: {  	[dreg:$0x4] =	wrdreg $0xC0  }
0xad: {  	_ =	task [dreg:s9], $0x5FFFF  }
0xae: {  	[dreg:$0x1] =	wrdreg $0xFFFFFFFF  }
0xaf: {  	[dreg:$0x0] =	wrdreg $0x60  }
0xb0: {  	[dreg:$0x2] =	wrdreg s4  }
0xb1: {  	[dreg:$0x3] =	wrdreg s2  }
0xb2: {  	[dreg:$0x4] =	wrdreg s18  }
0xb3: {  	[dreg:$0x5] =	wrdreg s24  }
0xb4: {  	[dreg:$0x6] =	wrdreg $0x0  }
0xb5: {  	[dreg:$0x7] =	wrdreg $0x9  }
0xb6: {  	_ =	task.clear_ibuf [dreg:s9], $0x8FFFF;
	_ =	strace $0x90000049  }
0xb7: {  	s29 =	simm.s32 $0x9;
	_ =	strace $0x8000004B  }
0xb8: {  	_ =	swait.ge [sflag:s29], $0x1  }
0xb9: {  	[sflag:s29] =	ssyncadd.s32 $0xFFFFFFFF  }
0xba: {  	_ =	strace $0x9000004B  }
0xbb: {  	_ =	sfence  }
0xbc: {  	s30 =	sld [smem:$0x0];
	_ =	sdelay $0x2  }
0xbd: {  	s31 =	sshll.u32 s1, $0xD;
	s1 =	sshrl.u32 s1, $0x2  }
0xbe: {  	s3 =	sand.u32 $0x4000, s31;
	s1 =	sadd.s32 s1, s30  }
0xbf: {  	s0 =	sor.u32 s3, s0;
	s1 =	sshll.u32 s1, $0x11  }
0xc0: {  	s0 =	sor.u32 s1, s0  }
0xc1: {  	s0 =	sadd.s32 $0x8F2B, s0  }
0xc2: {  	[sflag:s0] =	ssyncadd.remote.s32 $0x1  }
0xc3: {  	_ =	sfence.sel $0xFFFF  }
0xc4: {  	[dreg:$0x0] =	wrdreg $0xFFFFFFFF;
	(pc) =	sbr.abs _section_cstart, $3  }
0xc5: {  	[dreg:$0x1] =	wrdreg $0xFFFFFFFF  }
0xc6: {  	_ =	task.clear_ibuf [dreg:s9], $0x2FFFF;
	_ =	strace $0x9FFFFFFF  }
0xc7: {  	(tm) =	ssettm $0x7FFFFFFF  }
tec
execute0_lowered:
.L_overlay_start_1:
0x0: {  	(tag) =	ssettag $0x1  }
0x1: {  	s1 =	rddreg [dreg:$0x0]  }
0x2: {  	s0 =	rddreg [dreg:$0x1]  }
0x3: {  	s3 =	rddreg [dreg:$0x2]  }
0x4: {  	s5 =	rddreg [dreg:$0x3]  }
0x5: {  	s2 =	rddreg [dreg:$0x4]  }
0x6: {  	s4 =	srdreg.scid;
	s12 =	stileid.u32;
	s28 =	simm.s32 $0x1  }
0x7: {  	s29 =	simm.s32 $0x2;
	s30 =	simm.s32 $0x3;
	s8 =	smul.u32 $0x13C00, s12  }
0x8: {  	s31 =	simm.s32 $0x4;
	s6 =	sand.u32 $0x1, s4;
	s10 =	smul.u32 $0x4F000, s12  }
0x9: {  	s4 =	simm.s32 $0x0;
	s9 =	sadd.s32 $0x3400, s5;
	s19 =	smul.u32 $0x4E20, s12  }
0xa: {  	s15 =	sshll.u32 s12, $0x1;
	s20 =	sshll.u32 s12, $0x6;
	s7 =	smul.u32 $0x13C000, s6  }
0xb: {  	[smem:$0x7FF] =	sst s4;
	s16 =	ssub.s32 $0x2, s6;
	s21 =	smul.u32 $0x2710, s6  }
0xc: {  	_ =	strace $0x8000004A;
	[dreg:$0x6] =	wrdreg s9;
	s11 =	sshrl.u32 s16, $0x1  }
0xd: {  	s18 =	sshrl.u32 s10, $0x2;
	s7 =	sadd.s32 s8, s7;
	s8 =	sor.u32 s6, s15  }
0xe: {  	s17 =	ssub.s32 s16, s11;
	s9 =	sadd.s32 s18, s2;
	s6 =	sor.u32 $0x1C07, s20  }
0xf: {  	s24 =	sadd.s32 s21, s19;
	s16 =	simm.s32 $0x7;
	s18 =	simm.s32 $0x13D80  }
0x10: {  	s19 =	simm.s32 $0x80;
	s20 =	simm.s32 $0x13F00;
	s21 =	simm.s32 $0x13E00  }
0x11: {  	s7 =	sshrl.u32 s7, $0x3;
	s8 =	smul.u32 $0x2710, s8;
	s23 =	smax.u32 s17, $0x1  }
0x12: {  	s25 =	sshrl.u32 s24, $0x3;
	s26 =	sadd.s32 $0x100, s24;
	s17 =	simm.s32 $0x13C00  }
0x13: {  	s5 =	sadd.s32 s7, s5;
	[dreg:$0xa] =	wrdreg s23;
	s11 =	sadd.s32 s25, s3  }
0x14: {  	s12 =	sadd.s32 s25, s0;
	s7 =	sshrl.u32 s9, $0x3;
	s23 =	simm.s32 $0x17F00  }
0x15: {  	s8 =	sshrl.u32 s8, $0x3;
	s5 =	sadd.s32 $0x5C00, s5;
	[dreg:$0xb] =	wrdreg s7  }
0x16: {  	s25 =	simm.s32 $0x13D00;
	s8 =	sadd.s32 $0x4E0, s8;
	[dreg:$0x9] =	wrdreg s5  }
0x17: {  	s5 =	sadd.s32 $0x80, s24;
	s24 =	simm.s32 $0x13E80;
	s22 =	sadd.s32 s0, s8  }
0x18: {  	s8 =	sadd.s32 s3, s8;
	s5 =	sshrl.u32 s5, $0x3;
	[dreg:$0x7] =	wrdreg s22  }
0x19: {  	s0 =	simm.s32 $0x5;
	[dreg:$0x8] =	wrdreg s8;
	s8 =	sshrl.u32 s26, $0x3  }
0x1a: {  	s14 =	sadd.s32 s5, s3;
	s22 =	simm.s32 $0x13C80;
	s26 =	simm.s32 $0x1BF00  }
0x1b: {  	s13 =	sadd.s32 s8, s3;
	s3 =	simm.s32 $0x6;
	s8 =	simm.s32 $0x0  }
.LBB2_1:
0x1c: {  	s5 =	rddreg [dreg:$0x6]  }
0x1d: {  	[spmem:s7], [sflag:s6] =	dma.local [hbm:s5], $0x2780  }
0x1e: {  	_ =	swait.ge [sflag:s16], $0x2780  }
0x1f: {  	[sflag:s16] =	ssyncset.done $0x0  }
0x20: {  	[sflag:s16] =	ssyncadd.s32 $0xFFFFD880  }
0x21: {  	s15 =	smov.u32 s6;
	s6 =	sadd.s32 $0x0, s12;
	[bflag:$0x0] =	sbarrier.arrive $0xFFFF  }
0x22: {  	[tilespmem:s17], [sflag:$0x7] =	stream.linear.gather [hbm4b:s6+s4], $0x180, $0x38;
	[tilespmem:$0x1FF80] =	vst v63  }
0x23: {  	_ =	swait.ge [sflag:s16], $0x180  }
0x24: {  	[sflag:s16] =	ssyncset.done $0x0  }
0x25: {  	s7 =	sadd.s32 $0x0, s11;
	[sflag:s16] =	ssyncadd.s32 $0xFFFFFE80  }
0x26: {  	[tilespmem:s18], [sflag:$0x7] =	stream.linear.gather [hbm4b:s7+s4], $0x80, $0x38;
	[tilespmem:$0x1FF80] =	vst v63  }
0x27: {  	_ =	swait.ge [sflag:s16], $0x80  }
0x28: {  	[sflag:s16] =	ssyncset.done $0x0  }
0x29: {  	[sflag:s16] =	ssyncadd.s32 $0xFFFFFF80  }
0x2a: {  	[tilespmem:s20], [sflag:$0x1] =	stream.indirect.gather [hbm4b:s1+s19], $0x80, s17, s19, $0xb8;
	[tilespmem:$0x1FF80] =	vst v63  }
0x2b: {  	s9 =	sadd.s32 $0x0, s14  }
0x2c: {  	[tilespmem:s21], [sflag:$0x7] =	stream.linear.gather [hbm4b:s9+s4], $0x80, $0x38;
	[tilespmem:$0x1FF80] =	vst v63  }
0x2d: {  	_ =	swait.ge [sflag:s16], $0x80  }
0x2e: {  	[sflag:s16] =	ssyncset.done $0x0  }
0x2f: {  	[sflag:s16] =	ssyncadd.s32 $0xFFFFFF80  }
0x30: {  	[tilespmem:s23], [sflag:$0x2] =	stream.indirect.gather [hbm4b:s1+s19], $0x80, s22, s19, $0xb8;
	[tilespmem:$0x1FF80] =	vst v63  }
0x31: {  	s10 =	sadd.s32 $0x0, s13  }
0x32: {  	[tilespmem:s24], [sflag:$0x7] =	stream.linear.gather [hbm4b:s10+s4], $0x80, $0x38;
	[tilespmem:$0x1FF80] =	vst v63  }
0x33: {  	_ =	swait.ge [sflag:s16], $0x80  }
0x34: {  	[sflag:s16] =	ssyncset.done $0x0  }
0x35: {  	[sflag:s16] =	ssyncadd.s32 $0xFFFFFF80  }
0x36: {  	[tilespmem:s26], [sflag:$0x3] =	stream.indirect.gather [hbm4b:s1+s19], $0x80, s25, s19, $0xb8;
	[tilespmem:$0x1FF80] =	vst v63  }
0x37: {  	_ =	swait.ge [sflag:s28], $0x4000  }
0x38: {  	[sflag:s28] =	ssyncset.done $0x0  }
0x39: {  	[sflag:s28] =	ssyncadd.s32 $0xFFFFC000  }
0x3a: {  	[spmem:s2] =	stream.indirect.scatter.add.f32 [tilespmem:s20], [sflag:$0x4], $0x80, s18, s19, $0xb8;
	[tilespmem:$0x1FF80] =	vst v63  }
0x3b: {  	_ =	swait.ge [sflag:s29], $0x4000  }
0x3c: {  	[sflag:s29] =	ssyncset.done $0x0  }
0x3d: {  	[sflag:s29] =	ssyncadd.s32 $0xFFFFC000  }
0x3e: {  	[spmem:s2] =	stream.indirect.scatter.add.f32 [tilespmem:s23], [sflag:$0x5], $0x80, s21, s19, $0xb8;
	[tilespmem:$0x1FF80] =	vst v63  }
0x3f: {  	_ =	swait.ge [sflag:s30], $0x4000  }
0x40: {  	[sflag:s30] =	ssyncset.done $0x0  }
0x41: {  	[sflag:s30] =	ssyncadd.s32 $0xFFFFC000  }
0x42: {  	[spmem:s2] =	stream.indirect.scatter.add.f32 [tilespmem:s26], [sflag:$0x6], $0x80, s24, s19, $0xb8;
	[tilespmem:$0x1FF80] =	vst v63  }
0x43: {  	_ =	swait.ge [sflag:s31], $0x4000  }
0x44: {  	[sflag:s31] =	ssyncset.done $0x0  }
0x45: {  	[sflag:s31] =	ssyncadd.s32 $0xFFFFC000  }
0x46: {  	_ =	swait.ge [sflag:s0], $0x4000  }
0x47: {  	[sflag:s0] =	ssyncset.done $0x0  }
0x48: {  	[sflag:s0] =	ssyncadd.s32 $0xFFFFC000  }
0x49: {  	_ =	swait.ge [sflag:s3], $0x4000  }
0x4a: {  	s9 =	simm.s32 $0x30;
	s10 =	simm.s32 $0x60;
	[sflag:s3] =	ssyncset.done $0x0  }
.LBB2_2:
0x4b: {  	s7 =	sadd.s32 s9, s12  }
0x4c: {  	[sflag:s3] =	ssyncadd.s32 $0xFFFFC000;
	s6 =	smov.u32 s10;
	s5 =	sadd.s32 $0x30, s10  }
0x4d: {  	[tilespmem:s17], [sflag:$0x7] =	stream.linear.gather [hbm4b:s7+s4], $0x180, $0x38;
	[tilespmem:$0x1FF80] =	vst v63  }
0x4e: {  	p0 =	sne.s32 s10, $0x4B0;
	_ =	swait.ge [sflag:s16], $0x180  }
0x4f: {  	[sflag:s16] =	ssyncset.done $0x0  }
0x50: {  	s7 =	sadd.s32 s9, s11;
	[sflag:s16] =	ssyncadd.s32 $0xFFFFFE80  }
0x51: {  	[tilespmem:s18], [sflag:$0x7] =	stream.linear.gather [hbm4b:s7+s4], $0x80, $0x38;
	[tilespmem:$0x1FF80] =	vst v63  }
0x52: {  	_ =	swait.ge [sflag:s16], $0x80  }
0x53: {  	[sflag:s16] =	ssyncset.done $0x0  }
0x54: {  	[sflag:s16] =	ssyncadd.s32 $0xFFFFFF80  }
0x55: {  	[tilespmem:s20], [sflag:$0x1] =	stream.indirect.gather [hbm4b:s1+s19], $0x80, s17, s19, $0xb8;
	[tilespmem:$0x1FF80] =	vst v63  }
0x56: {  	s7 =	sadd.s32 s9, s14  }
0x57: {  	[tilespmem:s21], [sflag:$0x7] =	stream.linear.gather [hbm4b:s7+s4], $0x80, $0x38;
	[tilespmem:$0x1FF80] =	vst v63  }
0x58: {  	_ =	swait.ge [sflag:s16], $0x80  }
0x59: {  	[sflag:s16] =	ssyncset.done $0x0  }
0x5a: {  	[sflag:s16] =	ssyncadd.s32 $0xFFFFFF80  }
0x5b: {  	[tilespmem:s23], [sflag:$0x2] =	stream.indirect.gather [hbm4b:s1+s19], $0x80, s22, s19, $0xb8;
	[tilespmem:$0x1FF80] =	vst v63  }
0x5c: {  	s7 =	sadd.s32 s9, s13;
	s9 =	smov.u32 s6  }
0x5d: {  	[tilespmem:s24], [sflag:$0x7] =	stream.linear.gather [hbm4b:s7+s4], $0x80, $0x38;
	[tilespmem:$0x1FF80] =	vst v63  }
0x5e: {  	_ =	swait.ge [sflag:s16], $0x80  }
0x5f: {  	[sflag:s16] =	ssyncset.done $0x0  }
0x60: {  	[sflag:s16] =	ssyncadd.s32 $0xFFFFFF80  }
0x61: {  	[tilespmem:s26], [sflag:$0x3] =	stream.indirect.gather [hbm4b:s1+s19], $0x80, s25, s19, $0xb8;
	[tilespmem:$0x1FF80] =	vst v63  }
0x62: {  	_ =	swait.ge [sflag:s28], $0x4000  }
0x63: {  	[sflag:s28] =	ssyncset.done $0x0  }
0x64: {  	[sflag:s28] =	ssyncadd.s32 $0xFFFFC000  }
0x65: {  	[spmem:s2] =	stream.indirect.scatter.add.f32 [tilespmem:s20], [sflag:$0x4], $0x80, s18, s19, $0xb8;
	[tilespmem:$0x1FF80] =	vst v63  }
0x66: {  	_ =	swait.ge [sflag:s29], $0x4000  }
0x67: {  	[sflag:s29] =	ssyncset.done $0x0  }
0x68: {  	[sflag:s29] =	ssyncadd.s32 $0xFFFFC000  }
0x69: {  	[spmem:s2] =	stream.indirect.scatter.add.f32 [tilespmem:s23], [sflag:$0x5], $0x80, s21, s19, $0xb8;
	[tilespmem:$0x1FF80] =	vst v63  }
0x6a: {  	_ =	swait.ge [sflag:s30], $0x4000  }
0x6b: {  	[sflag:s30] =	ssyncset.done $0x0  }
0x6c: {  	[sflag:s30] =	ssyncadd.s32 $0xFFFFC000  }
0x6d: {  	[spmem:s2] =	stream.indirect.scatter.add.f32 [tilespmem:s26], [sflag:$0x6], $0x80, s24, s19, $0xb8;
	[tilespmem:$0x1FF80] =	vst v63  }
0x6e: {  	_ =	swait.ge [sflag:s31], $0x4000  }
0x6f: {  	[sflag:s31] =	ssyncset.done $0x0  }
0x70: {  	[sflag:s31] =	ssyncadd.s32 $0xFFFFC000  }
.Ltmp0:
0x71: {  	_ =	swait.ge [sflag:s0], $0x4000;
	(pc) =	sbr.rel @p0 .LBB2_2-.Ltmp0, $4  }
0x72: {  	[sflag:s0] =	ssyncset.done $0x0  }
0x73: {  	[sflag:s0] =	ssyncadd.s32 $0xFFFFC000  }
0x74: {  	_ =	swait.ge [sflag:s3], $0x4000  }
0x75: {  	s10 =	smov.u32 s5;
	[sflag:s3] =	ssyncset.done $0x0  }
0x76: {  	s5 =	sadd.s32 s9, s12;
	[sflag:s3] =	ssyncadd.s32 $0xFFFFC000  }
0x77: {  	[tilespmem:s17], [sflag:$0x7] =	stream.linear.gather [hbm4b:s5+s4], $0x180, $0x38;
	[tilespmem:$0x1FF80] =	vst v63  }
0x78: {  	_ =	swait.ge [sflag:s16], $0x180  }
0x79: {  	[sflag:s16] =	ssyncset.done $0x0  }
0x7a: {  	s6 =	sadd.s32 s9, s11;
	[sflag:s16] =	ssyncadd.s32 $0xFFFFFE80  }
0x7b: {  	[tilespmem:s18], [sflag:$0x7] =	stream.linear.gather [hbm4b:s6+s4], $0x80, $0x38;
	[tilespmem:$0x1FF80] =	vst v63  }
0x7c: {  	_ =	swait.ge [sflag:s16], $0x80  }
0x7d: {  	[sflag:s16] =	ssyncset.done $0x0  }
0x7e: {  	[sflag:s16] =	ssyncadd.s32 $0xFFFFFF80  }
0x7f: {  	[tilespmem:s20], [sflag:$0x1] =	stream.indirect.gather [hbm4b:s1+s19], $0x80, s17, s19, $0xb8;
	[tilespmem:$0x1FF80] =	vst v63  }
0x80: {  	s7 =	sadd.s32 s9, s14  }
0x81: {  	[tilespmem:s21], [sflag:$0x7] =	stream.linear.gather [hbm4b:s7+s4], $0x80, $0x38;
	[tilespmem:$0x1FF80] =	vst v63  }
0x82: {  	_ =	swait.ge [sflag:s16], $0x80  }
0x83: {  	[sflag:s16] =	ssyncset.done $0x0  }
0x84: {  	[sflag:s16] =	ssyncadd.s32 $0xFFFFFF80  }
0x85: {  	[tilespmem:s23], [sflag:$0x2] =	stream.indirect.gather [hbm4b:s1+s19], $0x80, s22, s19, $0xb8;
	[tilespmem:$0x1FF80] =	vst v63  }
0x86: {  	s10 =	sadd.s32 s9, s13  }
0x87: {  	[tilespmem:s24], [sflag:$0x7] =	stream.linear.gather [hbm4b:s10+s4], $0x80, $0x38;
	[tilespmem:$0x1FF80] =	vst v63  }
0x88: {  	_ =	swait.ge [sflag:s16], $0x80  }
0x89: {  	[sflag:s16] =	ssyncset.done $0x0  }
0x8a: {  	[sflag:s16] =	ssyncadd.s32 $0xFFFFFF80  }
0x8b: {  	[tilespmem:s26], [sflag:$0x3] =	stream.indirect.gather [hbm4b:s1+s19], $0x80, s25, s19, $0xb8;
	[tilespmem:$0x1FF80] =	vst v63  }
0x8c: {  	_ =	swait.ge [sflag:s28], $0x4000  }
0x8d: {  	[sflag:s28] =	ssyncset.done $0x0  }
0x8e: {  	[sflag:s28] =	ssyncadd.s32 $0xFFFFC000  }
0x8f: {  	[spmem:s2] =	stream.indirect.scatter.add.f32 [tilespmem:s20], [sflag:$0x4], $0x80, s18, s19, $0xb8;
	[tilespmem:$0x1FF80] =	vst v63  }
0x90: {  	_ =	swait.ge [sflag:s29], $0x4000  }
0x91: {  	[sflag:s29] =	ssyncset.done $0x0  }
0x92: {  	[sflag:s29] =	ssyncadd.s32 $0xFFFFC000  }
0x93: {  	[spmem:s2] =	stream.indirect.scatter.add.f32 [tilespmem:s23], [sflag:$0x5], $0x80, s21, s19, $0xb8;
	[tilespmem:$0x1FF80] =	vst v63  }
0x94: {  	_ =	swait.ge [sflag:s30], $0x4000  }
0x95: {  	[sflag:s30] =	ssyncset.done $0x0  }
0x96: {  	[sflag:s30] =	ssyncadd.s32 $0xFFFFC000  }
0x97: {  	[spmem:s2] =	stream.indirect.scatter.add.f32 [tilespmem:s26], [sflag:$0x6], $0x80, s24, s19, $0xb8;
	[tilespmem:$0x1FF80] =	vst v63  }
0x98: {  	_ =	swait.ge [sflag:s31], $0x4000  }
0x99: {  	[sflag:s31] =	ssyncset.done $0x0  }
0x9a: {  	[sflag:s31] =	ssyncadd.s32 $0xFFFFC000  }
0x9b: {  	_ =	swait.ge [sflag:s0], $0x4000  }
0x9c: {  	[sflag:s0] =	ssyncset.done $0x0  }
0x9d: {  	[sflag:s0] =	ssyncadd.s32 $0xFFFFC000  }
0x9e: {  	_ =	swait.ge [sflag:s3], $0x4000  }
0x9f: {  	[sflag:s3] =	ssyncset.done $0x0  }
0xa0: {  	s6 =	rddreg [dreg:$0x7];
	[sflag:s3] =	ssyncadd.s32 $0xFFFFC000  }
0xa1: {  	[tilespmem:s17], [sflag:$0x7] =	stream.linear.gather [hbm4b:s6+s4], $0x10, $0x38;
	[tilespmem:$0x1FF80] =	vst v63  }
0xa2: {  	_ =	swait.ge [sflag:s16], $0x10  }
0xa3: {  	[sflag:s16] =	ssyncset.done $0x0  }
0xa4: {  	s6 =	simm.s32 $0x1FF00;
	s7 =	rddreg [dreg:$0x8];
	[sflag:s16] =	ssyncadd.s32 $0xFFFFFFF0  }
0xa5: {  	[tilespmem:s6], [sflag:$0x7] =	stream.linear.gather [hbm4b:s7+s4], $0x10, $0x38;
	[tilespmem:$0x1FF80] =	vst v63  }
0xa6: {  	_ =	swait.ge [sflag:s16], $0x10  }
0xa7: {  	[sflag:s16] =	ssyncset.done $0x0  }
0xa8: {  	s9 =	simm.s32 $0x10;
	[sflag:s16] =	ssyncadd.s32 $0xFFFFFFF0  }
0xa9: {  	[tilespmem:s20], [sflag:$0x1] =	stream.indirect.gather [hbm4b:s1+s9], $0x80, s17, s9, $0xb8;
	[tilespmem:$0x1FF80] =	vst v63  }
0xaa: {  	_ =	swait.ge [sflag:s28], $0x800  }
0xab: {  	[sflag:s28] =	ssyncset.done $0x0  }
0xac: {  	[sflag:s28] =	ssyncadd.s32 $0xFFFFF800  }
0xad: {  	[spmem:s2] =	stream.indirect.scatter.add.f32 [tilespmem:s20], [sflag:$0x7], $0x80, s6, s9, $0xb8;
	[tilespmem:$0x1FF80] =	vst v63  }
0xae: {  	_ =	swait.ge [sflag:s16], $0x800  }
0xaf: {  	[sflag:s16] =	ssyncset.done $0x0  }
0xb0: {  	[sflag:s16] =	ssyncadd.s32 $0xFFFFF800  }
0xb1: {  	[bflag:$0x0] =	sbarrier.arrive $0xFFFF  }
0xb2: {  	s10 =	rddreg [dreg:$0x9]  }
0xb3: {  	s7 =	rddreg [dreg:$0xb]  }
0xb4: {  	[hbm:s10], [sflag:s15] =	dma.local [spmem:s7], $0x2780  }
0xb5: {  	_ =	swait.ge [sflag:s16], $0x2780  }
0xb6: {  	s8 =	sadd.s32 $0x1, s8;
	s6 =	smov.u32 s15;
	s15 =	rddreg [dreg:$0xa]  }
0xb7: {  	p0 =	sne.s32 s8, s15  }
.Ltmp1:
0xb8: {  	_ = 	snop;
	(pc) =	sbr.rel @p0 .LBB2_1-.Ltmp1, $3  }
0xb9: {  	_ =	sdelay $0x1  }
0xba: {  	[sflag:s16] =	ssyncset.done $0x0  }
0xbb: {  	[sflag:s16] =	ssyncadd.s32 $0xFFFFD880  }
0xbc: {  	_ =	sfence.sel $0x180000  }
0xbd: {  	[bflag:$0x0] =	sbarrier.arrive $0xFFFF  }
0xbe: {  	_ =	strace $0x9000004A  }
0xbf: {  	s0 =	stileid.u32;
	[bflag:$0x2] =	sbarrier.arrive $0xFFFF  }
0xc0: {  	p0 =	sne.s32 s0, $0x0;
	s0 =	rddreg [dreg:$0x5]  }
0xc1: {  	s0 =	sadd.s32 @!p0 $0x100000, s0  }
0xc2: {  	[sflag:s0] =	ssyncadd.tile.s32 @!p0 $0x1;
	_ =	shalt  }
.Lfunc_end2:
_tile_overlayer_lowered:
.L_overlay_start_2:
0xc3: {  	(tag) =	ssettag $0x2  }
0xc4: {  	s0 =	rddreg [dreg:$0x0];
	s2 =	stileid.u32  }
0xc5: {  	s1 =	rddreg [dreg:$0x1];
	p0 =	sne.s32 s2, $0x0  }
0xc6: {  	s3 =	rddreg [dreg:$0x2];
	[bflag:$0x3] =	sbarrier.arrive $0xFFFF;
	s2 =	simm.s32 @!p0 $0x1C07  }
0xc7: {  	[timem:s3], [sflag:s2] =	dma.local @!p0 [hbm:s0], s1  }
0xc8: {  	s0 =	simm.s32 @!p0 $0x7  }
0xc9: {  	_ =	swait.ge @!p0 [sflag:s0], s1  }
0xca: {  	s1 =	ssub.s32 @!p0 $0x0, s1;
	[sflag:s0] =	ssyncset.done @!p0 $0x0  }
0xcb: {  	[sflag:s0] =	ssyncadd.s32 @!p0 s1  }
0xcc: {  	[bflag:$0x3] =	sbarrier.arrive $0xFFFF  }
0xcd: {  	_ =	shalt  }

// kernel: kernel.15.cloned.1.call-start
scs
__scs_entry_jumppad:
0x0: {  	(pc) =	sbr.rel $0x88, $3  }
0x1: {  	(tag) =	ssettag $0x0;
	lr =	simm.s32 $0x1  }
0x2: {  	[smem:$0x3F98] =	sst lr;
	_ =	strace $0xD0000000  }
0x3: {  	_ = 	snop  }
0x4: {  	_ = 	snop  }
0x5: {  	_ = 	snop  }
0x6: {  	_ = 	snop  }
0x7: {  	_ = 	snop  }
__scs_overlays_trampoline_lowered:
0x8: {  	[smem:$0x3FA7] =	sst s0  }
0x9: {  	[smem:$0x3FA8] =	sst s1  }
0xa: {  	[smem:$0x3FA9] =	sst s2  }
0xb: {  	[smem:$0x3FAA] =	sst s3  }
0xc: {  	[smem:$0x3FAB] =	sst s4  }
0xd: {  	[smem:$0x3FAC] =	sst s5  }
0xe: {  	[smem:$0x3FAD] =	sst s6  }
0xf: {  	[smem:$0x3FAE] =	sst s7  }
0x10: {  	[smem:$0x3FAF] =	sst s8  }
0x11: {  	[smem:$0x3FB0] =	sst s9;
	s0 =	simm.s32 @!p0 $0x0  }
0x12: {  	s1 =	sld [smem:$0x3F96];
	s0 =	simm.s32 @p0 $0x1  }
0x13: {  	[smem:$0x3FB1] =	sst s0;
	s0 =	simm.s32 @!p1 $0x0  }
0x14: {  	s2 =	sld [smem:$0x3F95];
	s0 =	simm.s32 @p1 $0x1  }
0x15: {  	[smem:$0x3FB2] =	sst s0;
	s0 =	simm.s32 @!p2 $0x0  }
0x16: {  	s3 =	sld [smem:$0x3FDB];
	s0 =	simm.s32 @p2 $0x1  }
0x17: {  	s4 =	simm.s32 $0x1BF5;
	[smem:$0x3FB4] =	sst s0  }
0x18: {  	s0 =	sld [smem:$0x3F97];
	_ =	swait.ge [sflag:s4], $0x0  }
0x19: {  	s7 =	sld [smem:$0x3F98]  }
0x1a: {  	s8 =	sadd.s32 $0xFFFFE003, lr  }
0x1b: {  	s9 =	sadd.s32 $0xFFFFFEF7, lr;
	s5 =	simm.s32 $0xFFFFFFFF;
	p2 =	slt.u32 s8, $0xFFFFF086  }
0x1c: {  	p1 =	slt.u32 s9, $0xF7A;
	s5 =	simm.s32 @!p2 $0x0  }
0x1d: {  	s5 =	simm.s32 @p1 $0x1;
	p0 =	seq.s32 s7, s2  }
0x1e: {  	s7 =	smul.u32 @!p0 $0xF7A, s2;
	p2 =	seq.s32 @!p0 s5, $0x0  }
0x1f: {  	s9 =	smul.u32 $0xF7A, s1;
	s8 =	simm.s32 @!p0 $0x1BF5;
	p2 =	por !p2, p0  }
0x20: {  	[sflag:s8] =	ssyncset.s32 @!p0 $0xFFFFF086;
	s6 =	sadd.s32 @!p0 s3, s7;
	s7 =	simm.s32 @!p0 $0x108  }
0x21: {  	s3 =	sadd.s32 s3, s9;
	s6 =	sadd.s32 @!p0 $0x88, s6;
	s7 =	simm.s32 @p2 $0x1082  }
0x22: {  	[simem:s7], [sflag:s8] =	dma.local @!p0 [hbm:s6], $0xF7A  }
0x23: {  	s9 =	sor.u32 $0xD0000000, s2;
	s6 =	simm.s32 $0x108;
	_ =	swait.ge @!p0 [sflag:s8], $0x0  }
0x24: {  	s3 =	sadd.s32 $0x88, s3;
	s6 =	simm.s32 @!p1 $0x1082;
	[sflag:s4] =	ssyncset.s32 $0xFFFFF086  }
0x25: {  	[simem:s6], [sflag:s4] =	dma.local [hbm:s3], $0xF7A  }
0x26: {  	[smem:$0x3F98] =	sst s1;
	(tag) =	ssettag s2;
	_ =	strace s9  }
0x27: {  	s1 =	sld [smem:$0x3FA8]  }
0x28: {  	s2 =	sld [smem:$0x3FA9]  }
0x29: {  	s4 =	sld [smem:$0x3FAB]  }
0x2a: {  	p0 =	seq.s32 s5, $0x0;
	s5 =	sld [smem:$0x3FAC]  }
0x2b: {  	s6 =	sld [smem:$0x3FAD]  }
0x2c: {  	s7 =	sld [smem:$0x3FAE]  }
0x2d: {  	s3 =	simm.s32 $0x108;
	s8 =	sld [smem:$0x3FAF]  }
0x2e: {  	s3 =	simm.s32 @!p0 $0x1082;
	s9 =	sld [smem:$0x3FB0]  }
0x2f: {  	lr =	sadd.s32 s0, s3;
	s0 =	sld [smem:$0x3FA7]  }
0x30: {  	s3 =	sld [smem:$0x3FAA]  }
0x31: {  	[smem:$0x3FB3] =	sst s10  }
0x32: {  	s10 =	sld [smem:$0x3FB1];
	_ =	sdelay $0x3  }
0x33: {  	p0 =	seq.s32 s10, $0x1;
	s10 =	sld [smem:$0x3FB3];
	_ =	sdelay $0x3  }
0x34: {  	[smem:$0x3FB3] =	sst s10  }
0x35: {  	s10 =	sld [smem:$0x3FB2];
	_ =	sdelay $0x3  }
0x36: {  	p1 =	seq.s32 s10, $0x1;
	s10 =	sld [smem:$0x3FB3];
	_ =	sdelay $0x3  }
0x37: {  	[smem:$0x3FB3] =	sst s10  }
0x38: {  	s10 =	sld [smem:$0x3FB4]  }
0x39: {  	_ = 	snop;
	(pc) =	sbr.ind lr, $3  }
0x3a: {  	_ = 	snop  }
0x3b: {  	_ = 	snop  }
0x3c: {  	p2 =	seq.s32 s10, $0x1;
	s10 =	sld [smem:$0x3FB3]  }
0x3d: {  	_ =	shalt  }
0x3e: {  	_ =	shalt  }
0x3f: {  	_ =	shalt  }
0x40: {  	_ =	shalt  }
0x41: {  	_ =	shalt  }
0x42: {  	_ =	shalt  }
0x43: {  	_ =	shalt  }
0x44: {  	_ =	shalt  }
0x45: {  	_ =	shalt  }
0x46: {  	_ =	shalt  }
0x47: {  	_ =	shalt  }
0x48: {  	_ =	shalt  }
0x49: {  	_ =	shalt  }
0x4a: {  	_ =	shalt  }
0x4b: {  	_ =	shalt  }
0x4c: {  	_ =	shalt  }
0x4d: {  	_ =	shalt  }
0x4e: {  	_ =	shalt  }
0x4f: {  	_ =	shalt  }
0x50: {  	_ =	shalt  }
0x51: {  	_ =	shalt  }
0x52: {  	_ =	shalt  }
0x53: {  	_ =	shalt  }
0x54: {  	_ =	shalt  }
0x55: {  	_ =	shalt  }
0x56: {  	_ =	shalt  }
0x57: {  	_ =	shalt  }
0x58: {  	_ =	shalt  }
0x59: {  	_ =	shalt  }
0x5a: {  	_ =	shalt  }
0x5b: {  	_ =	shalt  }
0x5c: {  	_ =	shalt  }
0x5d: {  	_ =	shalt  }
0x5e: {  	_ =	shalt  }
0x5f: {  	_ =	shalt  }
0x60: {  	_ =	shalt  }
0x61: {  	_ =	shalt  }
0x62: {  	_ =	shalt  }
0x63: {  	_ =	shalt  }
0x64: {  	_ =	shalt  }
0x65: {  	_ =	shalt  }
0x66: {  	_ =	shalt  }
0x67: {  	_ =	shalt  }
0x68: {  	_ =	shalt  }
0x69: {  	_ =	shalt  }
0x6a: {  	_ =	shalt  }
0x6b: {  	_ =	shalt  }
0x6c: {  	_ =	shalt  }
0x6d: {  	_ =	shalt  }
0x6e: {  	_ =	shalt  }
0x6f: {  	_ =	shalt  }
0x70: {  	_ =	shalt  }
0x71: {  	_ =	shalt  }
0x72: {  	_ =	shalt  }
0x73: {  	_ =	shalt  }
0x74: {  	_ =	shalt  }
0x75: {  	_ =	shalt  }
0x76: {  	_ =	shalt  }
0x77: {  	_ =	shalt  }
0x78: {  	_ =	shalt  }
0x79: {  	_ =	shalt  }
0x7a: {  	_ =	shalt  }
0x7b: {  	_ =	shalt  }
0x7c: {  	_ =	shalt  }
0x7d: {  	_ =	shalt  }
0x7e: {  	_ =	shalt  }
0x7f: {  	_ =	shalt  }
0x80: {  	_ =	shalt  }
0x81: {  	_ =	shalt  }
0x82: {  	_ =	shalt  }
0x83: {  	_ =	shalt  }
0x84: {  	_ =	shalt  }
0x85: {  	_ =	shalt  }
0x86: {  	_ =	shalt  }
0x87: {  	_ =	shalt  }
.Lfunc_end0:
.L_simem_size_0:
called_computation.2_lowered:
.L_overlay_start_0:
0x88: {  	s2 =	sld [smem:$0x3FD9]  }
0x89: {  	s3 =	sld [smem:$0x3FFE];
	_ =	sdelay $0x1  }
0x8a: {  	s1 =	srdreg.scid  }
0x8b: {  	s0 =	sand.u32 $0x1, s1  }
0x8c: {  	s17 =	sshll.u32 s0, $0xA;
	s2 =	sadd.s32 s3, s2  }
0x8d: {  	s2 =	sadd.s32 s2, s17  }
0x8e: {  	[smem:$0x3FBF] =	sst s2  }
0x8f: {  	_ = 	snop  }
0x90: {  	s2 =	sld [smem:$0x3FC8]  }
0x91: {  	s18 =	sld [smem:$0x3FC7]  }
0x92: {  	s4 =	sld [smem:$0x3FD0];
	(tm) =	ssettm $0x1  }
0x93: {  	s5 =	sld [smem:$0x3FFB];
	_ =	sdelay $0x3  }
0x94: {  	_ =	strace s5  }
0x95: {  	s5 =	sld [smem:$0x3FFC];
	_ =	sdelay $0x3  }
0x96: {  	_ =	strace s5  }
0x97: {  	s5 =	sld [smem:$0x3FFD];
	_ =	sdelay $0x3  }
0x98: {  	_ =	strace s5  }
0x99: {  	_ =	strace $0x8FFFFFFF  }
0x9a: {  	s19 =	sld [smem:$0x3FDB];
	_ =	sdelay $0x1  }
0x9b: {  	s6 =	simm.s32 $_scs_section_size  }
0x9c: {  	s7 =	simm.s32 $_size__tile_overlayer_lowered;
	s8 =	simm.s32 $_tile_overlayer_lowered  }
0x9d: {  	s22 =	simm.s32 $0x1BFF;
	s21 =	sshll.u32 s8, $0x1;
	s5 =	sadd.s32 s6, s19  }
0x9e: {  	s9 =	simm.s32 $0x0;
	s20 =	sshll.u32 s7, $0x1;
	s7 =	sadd.s32 s21, s5  }
0x9f: {  	[timem:s9], [sflag:s22] =	dma.local [hbm:s7], s20  }
0xa0: {  	_ =	swait.ge [sflag:s22], s20  }
0xa1: {  	s6 =	ssub.s32 $0x0, s20;
	[sflag:s22] =	ssyncset.done $0x0  }
0xa2: {  	[sflag:s22] =	ssyncadd.s32 s6;
	_ =	sdelay $0x1  }
0xa3: {  	s23 =	simm.s32 $0x1B8B  }
0xa4: {  	_ =	swait.ge [sflag:s23], $0x1  }
0xa5: {  	[sflag:s23] =	ssyncset.done $0x0  }
0xa6: {  	s25 =	simm.s32 $0x1B8E;
	s24 =	sld [smem:$0x3FFE];
	[sflag:s23] =	ssyncadd.s32 $0xFFFFFFFF  }
0xa7: {  	s26 =	simm.s32 $execute0_lowered;
	[smem:$0x3FD2] =	sst s25  }
0xa8: {  	s7 =	sshll.u32 s26, $0x1;
	_ =	strace $0x8000004C;
	[dreg:$0x1] =	wrdreg $0xFFFFFFFF  }
0xa9: {  	s28 =	simm.s32 $_size_execute0_lowered;
	s5 =	sadd.s32 s5, s7;
	[dreg:$0x0] =	wrdreg $0x0  }
0xaa: {  	s7 =	sshll.u32 s28, $0x1;
	[dreg:$0x2] =	wrdreg s5  }
0xab: {  	[dreg:$0x3] =	wrdreg s7  }
0xac: {  	[dreg:$0x4] =	wrdreg $0xC0  }
0xad: {  	_ =	task [dreg:s9], $0x5FFFF  }
0xae: {  	[dreg:$0x1] =	wrdreg $0xFFFFFFFF  }
0xaf: {  	[dreg:$0x0] =	wrdreg $0x60  }
0xb0: {  	[dreg:$0x2] =	wrdreg s4  }
0xb1: {  	[dreg:$0x3] =	wrdreg s2  }
0xb2: {  	[dreg:$0x4] =	wrdreg s18  }
0xb3: {  	[dreg:$0x5] =	wrdreg s24  }
0xb4: {  	[dreg:$0x6] =	wrdreg $0x0  }
0xb5: {  	[dreg:$0x7] =	wrdreg $0x9  }
0xb6: {  	_ =	task.clear_ibuf [dreg:s9], $0x8FFFF;
	_ =	strace $0x9000004C  }
0xb7: {  	s29 =	simm.s32 $0x9;
	_ =	strace $0x8000004E  }
0xb8: {  	_ =	swait.ge [sflag:s29], $0x1  }
0xb9: {  	[sflag:s29] =	ssyncadd.s32 $0xFFFFFFFF  }
0xba: {  	_ =	strace $0x9000004E  }
0xbb: {  	_ =	sfence  }
0xbc: {  	s30 =	sld [smem:$0x0];
	_ =	sdelay $0x2  }
0xbd: {  	s31 =	sshll.u32 s1, $0xD;
	s1 =	sshrl.u32 s1, $0x2  }
0xbe: {  	s3 =	sand.u32 $0x4000, s31;
	s1 =	sadd.s32 s1, s30  }
0xbf: {  	s0 =	sor.u32 s3, s0;
	s1 =	sshll.u32 s1, $0x11  }
0xc0: {  	s0 =	sor.u32 s1, s0  }
0xc1: {  	s0 =	sadd.s32 $0x8F2B, s0  }
0xc2: {  	[sflag:s0] =	ssyncadd.remote.s32 $0x1  }
0xc3: {  	_ =	sfence.sel $0xFFFF  }
0xc4: {  	[dreg:$0x0] =	wrdreg $0xFFFFFFFF;
	(pc) =	sbr.abs _section_cstart, $3  }
0xc5: {  	[dreg:$0x1] =	wrdreg $0xFFFFFFFF  }
0xc6: {  	_ =	task.clear_ibuf [dreg:s9], $0x2FFFF;
	_ =	strace $0x9FFFFFFF  }
0xc7: {  	(tm) =	ssettm $0x7FFFFFFF  }
tec
execute0_lowered:
.L_overlay_start_1:
0x0: {  	(tag) =	ssettag $0x1  }
0x1: {  	s1 =	rddreg [dreg:$0x0]  }
0x2: {  	s0 =	rddreg [dreg:$0x1]  }
0x3: {  	s3 =	rddreg [dreg:$0x2]  }
0x4: {  	s5 =	rddreg [dreg:$0x3]  }
0x5: {  	s2 =	rddreg [dreg:$0x4]  }
0x6: {  	s4 =	srdreg.scid;
	s12 =	stileid.u32;
	s28 =	simm.s32 $0x1  }
0x7: {  	s29 =	simm.s32 $0x2;
	s30 =	simm.s32 $0x3;
	s8 =	smul.u32 $0x13C00, s12  }
0x8: {  	s31 =	simm.s32 $0x4;
	s6 =	sand.u32 $0x1, s4;
	s10 =	smul.u32 $0x4F000, s12  }
0x9: {  	s4 =	simm.s32 $0x0;
	s9 =	sadd.s32 $0x3400, s5;
	s19 =	smul.u32 $0x4E20, s12  }
0xa: {  	s15 =	sshll.u32 s12, $0x1;
	s20 =	sshll.u32 s12, $0x6;
	s7 =	smul.u32 $0x13C000, s6  }
0xb: {  	[smem:$0x7FF] =	sst s4;
	s16 =	ssub.s32 $0x2, s6;
	s21 =	smul.u32 $0x2710, s6  }
0xc: {  	_ =	strace $0x8000004D;
	[dreg:$0x6] =	wrdreg s9;
	s11 =	sshrl.u32 s16, $0x1  }
0xd: {  	s18 =	sshrl.u32 s10, $0x2;
	s7 =	sadd.s32 s8, s7;
	s8 =	sor.u32 s6, s15  }
0xe: {  	s17 =	ssub.s32 s16, s11;
	s9 =	sadd.s32 s18, s2;
	s6 =	sor.u32 $0x1C07, s20  }
0xf: {  	s24 =	sadd.s32 s21, s19;
	s16 =	simm.s32 $0x7;
	s18 =	simm.s32 $0x13D80  }
0x10: {  	s19 =	simm.s32 $0x80;
	s20 =	simm.s32 $0x13F00;
	s21 =	simm.s32 $0x13E00  }
0x11: {  	s7 =	sshrl.u32 s7, $0x3;
	s8 =	smul.u32 $0x2710, s8;
	s23 =	smax.u32 s17, $0x1  }
0x12: {  	s25 =	sshrl.u32 s24, $0x3;
	s26 =	sadd.s32 $0x100, s24;
	s17 =	simm.s32 $0x13C00  }
0x13: {  	s5 =	sadd.s32 s7, s5;
	[dreg:$0xa] =	wrdreg s23;
	s11 =	sadd.s32 s25, s3  }
0x14: {  	s12 =	sadd.s32 s25, s0;
	s7 =	sshrl.u32 s9, $0x3;
	s23 =	simm.s32 $0x17F00  }
0x15: {  	s8 =	sshrl.u32 s8, $0x3;
	s5 =	sadd.s32 $0x5C00, s5;
	[dreg:$0xb] =	wrdreg s7  }
0x16: {  	s25 =	simm.s32 $0x13D00;
	s8 =	sadd.s32 $0x4E0, s8;
	[dreg:$0x9] =	wrdreg s5  }
0x17: {  	s5 =	sadd.s32 $0x80, s24;
	s24 =	simm.s32 $0x13E80;
	s22 =	sadd.s32 s0, s8  }
0x18: {  	s8 =	sadd.s32 s3, s8;
	s5 =	sshrl.u32 s5, $0x3;
	[dreg:$0x7] =	wrdreg s22  }
0x19: {  	s0 =	simm.s32 $0x5;
	[dreg:$0x8] =	wrdreg s8;
	s8 =	sshrl.u32 s26, $0x3  }
0x1a: {  	s14 =	sadd.s32 s5, s3;
	s22 =	simm.s32 $0x13C80;
	s26 =	simm.s32 $0x1BF00  }
0x1b: {  	s13 =	sadd.s32 s8, s3;
	s3 =	simm.s32 $0x6;
	s8 =	simm.s32 $0x0  }
.LBB2_1:
0x1c: {  	s5 =	rddreg [dreg:$0x6]  }
0x1d: {  	[spmem:s7], [sflag:s6] =	dma.local [hbm:s5], $0x2780  }
0x1e: {  	_ =	swait.ge [sflag:s16], $0x2780  }
0x1f: {  	[sflag:s16] =	ssyncset.done $0x0  }
0x20: {  	[sflag:s16] =	ssyncadd.s32 $0xFFFFD880  }
0x21: {  	s15 =	smov.u32 s6;
	s6 =	sadd.s32 $0x0, s12;
	[bflag:$0x0] =	sbarrier.arrive $0xFFFF  }
0x22: {  	[tilespmem:s17], [sflag:$0x7] =	stream.linear.gather [hbm4b:s6+s4], $0x180, $0x38;
	[tilespmem:$0x1FF80] =	vst v63  }
0x23: {  	_ =	swait.ge [sflag:s16], $0x180  }
0x24: {  	[sflag:s16] =	ssyncset.done $0x0  }
0x25: {  	s7 =	sadd.s32 $0x0, s11;
	[sflag:s16] =	ssyncadd.s32 $0xFFFFFE80  }
0x26: {  	[tilespmem:s18], [sflag:$0x7] =	stream.linear.gather [hbm4b:s7+s4], $0x80, $0x38;
	[tilespmem:$0x1FF80] =	vst v63  }
0x27: {  	_ =	swait.ge [sflag:s16], $0x80  }
0x28: {  	[sflag:s16] =	ssyncset.done $0x0  }
0x29: {  	[sflag:s16] =	ssyncadd.s32 $0xFFFFFF80  }
0x2a: {  	[tilespmem:s20], [sflag:$0x1] =	stream.indirect.gather [hbm4b:s1+s19], $0x80, s17, s19, $0xb8;
	[tilespmem:$0x1FF80] =	vst v63  }
0x2b: {  	s9 =	sadd.s32 $0x0, s14  }
0x2c: {  	[tilespmem:s21], [sflag:$0x7] =	stream.linear.gather [hbm4b:s9+s4], $0x80, $0x38;
	[tilespmem:$0x1FF80] =	vst v63  }
0x2d: {  	_ =	swait.ge [sflag:s16], $0x80  }
0x2e: {  	[sflag:s16] =	ssyncset.done $0x0  }
0x2f: {  	[sflag:s16] =	ssyncadd.s32 $0xFFFFFF80  }
0x30: {  	[tilespmem:s23], [sflag:$0x2] =	stream.indirect.gather [hbm4b:s1+s19], $0x80, s22, s19, $0xb8;
	[tilespmem:$0x1FF80] =	vst v63  }
0x31: {  	s10 =	sadd.s32 $0x0, s13  }
0x32: {  	[tilespmem:s24], [sflag:$0x7] =	stream.linear.gather [hbm4b:s10+s4], $0x80, $0x38;
	[tilespmem:$0x1FF80] =	vst v63  }
0x33: {  	_ =	swait.ge [sflag:s16], $0x80  }
0x34: {  	[sflag:s16] =	ssyncset.done $0x0  }
0x35: {  	[sflag:s16] =	ssyncadd.s32 $0xFFFFFF80  }
0x36: {  	[tilespmem:s26], [sflag:$0x3] =	stream.indirect.gather [hbm4b:s1+s19], $0x80, s25, s19, $0xb8;
	[tilespmem:$0x1FF80] =	vst v63  }
0x37: {  	_ =	swait.ge [sflag:s28], $0x4000  }
0x38: {  	[sflag:s28] =	ssyncset.done $0x0  }
0x39: {  	[sflag:s28] =	ssyncadd.s32 $0xFFFFC000  }
0x3a: {  	[spmem:s2] =	stream.indirect.scatter.add.f32 [tilespmem:s20], [sflag:$0x4], $0x80, s18, s19, $0xb8;
	[tilespmem:$0x1FF80] =	vst v63  }
0x3b: {  	_ =	swait.ge [sflag:s29], $0x4000  }
0x3c: {  	[sflag:s29] =	ssyncset.done $0x0  }
0x3d: {  	[sflag:s29] =	ssyncadd.s32 $0xFFFFC000  }
0x3e: {  	[spmem:s2] =	stream.indirect.scatter.add.f32 [tilespmem:s23], [sflag:$0x5], $0x80, s21, s19, $0xb8;
	[tilespmem:$0x1FF80] =	vst v63  }
0x3f: {  	_ =	swait.ge [sflag:s30], $0x4000  }
0x40: {  	[sflag:s30] =	ssyncset.done $0x0  }
0x41: {  	[sflag:s30] =	ssyncadd.s32 $0xFFFFC000  }
0x42: {  	[spmem:s2] =	stream.indirect.scatter.add.f32 [tilespmem:s26], [sflag:$0x6], $0x80, s24, s19, $0xb8;
	[tilespmem:$0x1FF80] =	vst v63  }
0x43: {  	_ =	swait.ge [sflag:s31], $0x4000  }
0x44: {  	[sflag:s31] =	ssyncset.done $0x0  }
0x45: {  	[sflag:s31] =	ssyncadd.s32 $0xFFFFC000  }
0x46: {  	_ =	swait.ge [sflag:s0], $0x4000  }
0x47: {  	[sflag:s0] =	ssyncset.done $0x0  }
0x48: {  	[sflag:s0] =	ssyncadd.s32 $0xFFFFC000  }
0x49: {  	_ =	swait.ge [sflag:s3], $0x4000  }
0x4a: {  	s9 =	simm.s32 $0x30;
	s10 =	simm.s32 $0x60;
	[sflag:s3] =	ssyncset.done $0x0  }
.LBB2_2:
0x4b: {  	s7 =	sadd.s32 s9, s12  }
0x4c: {  	[sflag:s3] =	ssyncadd.s32 $0xFFFFC000;
	s6 =	smov.u32 s10;
	s5 =	sadd.s32 $0x30, s10  }
0x4d: {  	[tilespmem:s17], [sflag:$0x7] =	stream.linear.gather [hbm4b:s7+s4], $0x180, $0x38;
	[tilespmem:$0x1FF80] =	vst v63  }
0x4e: {  	p0 =	sne.s32 s10, $0x4B0;
	_ =	swait.ge [sflag:s16], $0x180  }
0x4f: {  	[sflag:s16] =	ssyncset.done $0x0  }
0x50: {  	s7 =	sadd.s32 s9, s11;
	[sflag:s16] =	ssyncadd.s32 $0xFFFFFE80  }
0x51: {  	[tilespmem:s18], [sflag:$0x7] =	stream.linear.gather [hbm4b:s7+s4], $0x80, $0x38;
	[tilespmem:$0x1FF80] =	vst v63  }
0x52: {  	_ =	swait.ge [sflag:s16], $0x80  }
0x53: {  	[sflag:s16] =	ssyncset.done $0x0  }
0x54: {  	[sflag:s16] =	ssyncadd.s32 $0xFFFFFF80  }
0x55: {  	[tilespmem:s20], [sflag:$0x1] =	stream.indirect.gather [hbm4b:s1+s19], $0x80, s17, s19, $0xb8;
	[tilespmem:$0x1FF80] =	vst v63  }
0x56: {  	s7 =	sadd.s32 s9, s14  }
0x57: {  	[tilespmem:s21], [sflag:$0x7] =	stream.linear.gather [hbm4b:s7+s4], $0x80, $0x38;
	[tilespmem:$0x1FF80] =	vst v63  }
0x58: {  	_ =	swait.ge [sflag:s16], $0x80  }
0x59: {  	[sflag:s16] =	ssyncset.done $0x0  }
0x5a: {  	[sflag:s16] =	ssyncadd.s32 $0xFFFFFF80  }
0x5b: {  	[tilespmem:s23], [sflag:$0x2] =	stream.indirect.gather [hbm4b:s1+s19], $0x80, s22, s19, $0xb8;
	[tilespmem:$0x1FF80] =	vst v63  }
0x5c: {  	s7 =	sadd.s32 s9, s13;
	s9 =	smov.u32 s6  }
0x5d: {  	[tilespmem:s24], [sflag:$0x7] =	stream.linear.gather [hbm4b:s7+s4], $0x80, $0x38;
	[tilespmem:$0x1FF80] =	vst v63  }
0x5e: {  	_ =	swait.ge [sflag:s16], $0x80  }
0x5f: {  	[sflag:s16] =	ssyncset.done $0x0  }
0x60: {  	[sflag:s16] =	ssyncadd.s32 $0xFFFFFF80  }
0x61: {  	[tilespmem:s26], [sflag:$0x3] =	stream.indirect.gather [hbm4b:s1+s19], $0x80, s25, s19, $0xb8;
	[tilespmem:$0x1FF80] =	vst v63  }
0x62: {  	_ =	swait.ge [sflag:s28], $0x4000  }
0x63: {  	[sflag:s28] =	ssyncset.done $0x0  }
0x64: {  	[sflag:s28] =	ssyncadd.s32 $0xFFFFC000  }
0x65: {  	[spmem:s2] =	stream.indirect.scatter.add.f32 [tilespmem:s20], [sflag:$0x4], $0x80, s18, s19, $0xb8;
	[tilespmem:$0x1FF80] =	vst v63  }
0x66: {  	_ =	swait.ge [sflag:s29], $0x4000  }
0x67: {  	[sflag:s29] =	ssyncset.done $0x0  }
0x68: {  	[sflag:s29] =	ssyncadd.s32 $0xFFFFC000  }
0x69: {  	[spmem:s2] =	stream.indirect.scatter.add.f32 [tilespmem:s23], [sflag:$0x5], $0x80, s21, s19, $0xb8;
	[tilespmem:$0x1FF80] =	vst v63  }
0x6a: {  	_ =	swait.ge [sflag:s30], $0x4000  }
0x6b: {  	[sflag:s30] =	ssyncset.done $0x0  }
0x6c: {  	[sflag:s30] =	ssyncadd.s32 $0xFFFFC000  }
0x6d: {  	[spmem:s2] =	stream.indirect.scatter.add.f32 [tilespmem:s26], [sflag:$0x6], $0x80, s24, s19, $0xb8;
	[tilespmem:$0x1FF80] =	vst v63  }
0x6e: {  	_ =	swait.ge [sflag:s31], $0x4000  }
0x6f: {  	[sflag:s31] =	ssyncset.done $0x0  }
0x70: {  	[sflag:s31] =	ssyncadd.s32 $0xFFFFC000  }
.Ltmp0:
0x71: {  	_ =	swait.ge [sflag:s0], $0x4000;
	(pc) =	sbr.rel @p0 .LBB2_2-.Ltmp0, $4  }
0x72: {  	[sflag:s0] =	ssyncset.done $0x0  }
0x73: {  	[sflag:s0] =	ssyncadd.s32 $0xFFFFC000  }
0x74: {  	_ =	swait.ge [sflag:s3], $0x4000  }
0x75: {  	s10 =	smov.u32 s5;
	[sflag:s3] =	ssyncset.done $0x0  }
0x76: {  	s5 =	sadd.s32 s9, s12;
	[sflag:s3] =	ssyncadd.s32 $0xFFFFC000  }
0x77: {  	[tilespmem:s17], [sflag:$0x7] =	stream.linear.gather [hbm4b:s5+s4], $0x180, $0x38;
	[tilespmem:$0x1FF80] =	vst v63  }
0x78: {  	_ =	swait.ge [sflag:s16], $0x180  }
0x79: {  	[sflag:s16] =	ssyncset.done $0x0  }
0x7a: {  	s6 =	sadd.s32 s9, s11;
	[sflag:s16] =	ssyncadd.s32 $0xFFFFFE80  }
0x7b: {  	[tilespmem:s18], [sflag:$0x7] =	stream.linear.gather [hbm4b:s6+s4], $0x80, $0x38;
	[tilespmem:$0x1FF80] =	vst v63  }
0x7c: {  	_ =	swait.ge [sflag:s16], $0x80  }
0x7d: {  	[sflag:s16] =	ssyncset.done $0x0  }
0x7e: {  	[sflag:s16] =	ssyncadd.s32 $0xFFFFFF80  }
0x7f: {  	[tilespmem:s20], [sflag:$0x1] =	stream.indirect.gather [hbm4b:s1+s19], $0x80, s17, s19, $0xb8;
	[tilespmem:$0x1FF80] =	vst v63  }
0x80: {  	s7 =	sadd.s32 s9, s14  }
0x81: {  	[tilespmem:s21], [sflag:$0x7] =	stream.linear.gather [hbm4b:s7+s4], $0x80, $0x38;
	[tilespmem:$0x1FF80] =	vst v63  }
0x82: {  	_ =	swait.ge [sflag:s16], $0x80  }
0x83: {  	[sflag:s16] =	ssyncset.done $0x0  }
0x84: {  	[sflag:s16] =	ssyncadd.s32 $0xFFFFFF80  }
0x85: {  	[tilespmem:s23], [sflag:$0x2] =	stream.indirect.gather [hbm4b:s1+s19], $0x80, s22, s19, $0xb8;
	[tilespmem:$0x1FF80] =	vst v63  }
0x86: {  	s10 =	sadd.s32 s9, s13  }
0x87: {  	[tilespmem:s24], [sflag:$0x7] =	stream.linear.gather [hbm4b:s10+s4], $0x80, $0x38;
	[tilespmem:$0x1FF80] =	vst v63  }
0x88: {  	_ =	swait.ge [sflag:s16], $0x80  }
0x89: {  	[sflag:s16] =	ssyncset.done $0x0  }
0x8a: {  	[sflag:s16] =	ssyncadd.s32 $0xFFFFFF80  }
0x8b: {  	[tilespmem:s26], [sflag:$0x3] =	stream.indirect.gather [hbm4b:s1+s19], $0x80, s25, s19, $0xb8;
	[tilespmem:$0x1FF80] =	vst v63  }
0x8c: {  	_ =	swait.ge [sflag:s28], $0x4000  }
0x8d: {  	[sflag:s28] =	ssyncset.done $0x0  }
0x8e: {  	[sflag:s28] =	ssyncadd.s32 $0xFFFFC000  }
0x8f: {  	[spmem:s2] =	stream.indirect.scatter.add.f32 [tilespmem:s20], [sflag:$0x4], $0x80, s18, s19, $0xb8;
	[tilespmem:$0x1FF80] =	vst v63  }
0x90: {  	_ =	swait.ge [sflag:s29], $0x4000  }
0x91: {  	[sflag:s29] =	ssyncset.done $0x0  }
0x92: {  	[sflag:s29] =	ssyncadd.s32 $0xFFFFC000  }
0x93: {  	[spmem:s2] =	stream.indirect.scatter.add.f32 [tilespmem:s23], [sflag:$0x5], $0x80, s21, s19, $0xb8;
	[tilespmem:$0x1FF80] =	vst v63  }
0x94: {  	_ =	swait.ge [sflag:s30], $0x4000  }
0x95: {  	[sflag:s30] =	ssyncset.done $0x0  }
0x96: {  	[sflag:s30] =	ssyncadd.s32 $0xFFFFC000  }
0x97: {  	[spmem:s2] =	stream.indirect.scatter.add.f32 [tilespmem:s26], [sflag:$0x6], $0x80, s24, s19, $0xb8;
	[tilespmem:$0x1FF80] =	vst v63  }
0x98: {  	_ =	swait.ge [sflag:s31], $0x4000  }
0x99: {  	[sflag:s31] =	ssyncset.done $0x0  }
0x9a: {  	[sflag:s31] =	ssyncadd.s32 $0xFFFFC000  }
0x9b: {  	_ =	swait.ge [sflag:s0], $0x4000  }
0x9c: {  	[sflag:s0] =	ssyncset.done $0x0  }
0x9d: {  	[sflag:s0] =	ssyncadd.s32 $0xFFFFC000  }
0x9e: {  	_ =	swait.ge [sflag:s3], $0x4000  }
0x9f: {  	[sflag:s3] =	ssyncset.done $0x0  }
0xa0: {  	s6 =	rddreg [dreg:$0x7];
	[sflag:s3] =	ssyncadd.s32 $0xFFFFC000  }
0xa1: {  	[tilespmem:s17], [sflag:$0x7] =	stream.linear.gather [hbm4b:s6+s4], $0x10, $0x38;
	[tilespmem:$0x1FF80] =	vst v63  }
0xa2: {  	_ =	swait.ge [sflag:s16], $0x10  }
0xa3: {  	[sflag:s16] =	ssyncset.done $0x0  }
0xa4: {  	s6 =	simm.s32 $0x1FF00;
	s7 =	rddreg [dreg:$0x8];
	[sflag:s16] =	ssyncadd.s32 $0xFFFFFFF0  }
0xa5: {  	[tilespmem:s6], [sflag:$0x7] =	stream.linear.gather [hbm4b:s7+s4], $0x10, $0x38;
	[tilespmem:$0x1FF80] =	vst v63  }
0xa6: {  	_ =	swait.ge [sflag:s16], $0x10  }
0xa7: {  	[sflag:s16] =	ssyncset.done $0x0  }
0xa8: {  	s9 =	simm.s32 $0x10;
	[sflag:s16] =	ssyncadd.s32 $0xFFFFFFF0  }
0xa9: {  	[tilespmem:s20], [sflag:$0x1] =	stream.indirect.gather [hbm4b:s1+s9], $0x80, s17, s9, $0xb8;
	[tilespmem:$0x1FF80] =	vst v63  }
0xaa: {  	_ =	swait.ge [sflag:s28], $0x800  }
0xab: {  	[sflag:s28] =	ssyncset.done $0x0  }
0xac: {  	[sflag:s28] =	ssyncadd.s32 $0xFFFFF800  }
0xad: {  	[spmem:s2] =	stream.indirect.scatter.add.f32 [tilespmem:s20], [sflag:$0x7], $0x80, s6, s9, $0xb8;
	[tilespmem:$0x1FF80] =	vst v63  }
0xae: {  	_ =	swait.ge [sflag:s16], $0x800  }
0xaf: {  	[sflag:s16] =	ssyncset.done $0x0  }
0xb0: {  	[sflag:s16] =	ssyncadd.s32 $0xFFFFF800  }
0xb1: {  	[bflag:$0x0] =	sbarrier.arrive $0xFFFF  }
0xb2: {  	s10 =	rddreg [dreg:$0x9]  }
0xb3: {  	s7 =	rddreg [dreg:$0xb]  }
0xb4: {  	[hbm:s10], [sflag:s15] =	dma.local [spmem:s7], $0x2780  }
0xb5: {  	_ =	swait.ge [sflag:s16], $0x2780  }
0xb6: {  	s8 =	sadd.s32 $0x1, s8;
	s6 =	smov.u32 s15;
	s15 =	rddreg [dreg:$0xa]  }
0xb7: {  	p0 =	sne.s32 s8, s15  }
.Ltmp1:
0xb8: {  	_ = 	snop;
	(pc) =	sbr.rel @p0 .LBB2_1-.Ltmp1, $3  }
0xb9: {  	_ =	sdelay $0x1  }
0xba: {  	[sflag:s16] =	ssyncset.done $0x0  }
0xbb: {  	[sflag:s16] =	ssyncadd.s32 $0xFFFFD880  }
0xbc: {  	_ =	sfence.sel $0x180000  }
0xbd: {  	[bflag:$0x0] =	sbarrier.arrive $0xFFFF  }
0xbe: {  	_ =	strace $0x9000004D  }
0xbf: {  	s0 =	stileid.u32;
	[bflag:$0x2] =	sbarrier.arrive $0xFFFF  }
0xc0: {  	p0 =	sne.s32 s0, $0x0;
	s0 =	rddreg [dreg:$0x5]  }
0xc1: {  	s0 =	sadd.s32 @!p0 $0x100000, s0  }
0xc2: {  	[sflag:s0] =	ssyncadd.tile.s32 @!p0 $0x1;
	_ =	shalt  }
.Lfunc_end2:
_tile_overlayer_lowered:
.L_overlay_start_2:
0xc3: {  	(tag) =	ssettag $0x2  }
0xc4: {  	s0 =	rddreg [dreg:$0x0];
	s2 =	stileid.u32  }
0xc5: {  	s1 =	rddreg [dreg:$0x1];
	p0 =	sne.s32 s2, $0x0  }
0xc6: {  	s3 =	rddreg [dreg:$0x2];
	[bflag:$0x3] =	sbarrier.arrive $0xFFFF;
	s2 =	simm.s32 @!p0 $0x1C07  }
0xc7: {  	[timem:s3], [sflag:s2] =	dma.local @!p0 [hbm:s0], s1  }
0xc8: {  	s0 =	simm.s32 @!p0 $0x7  }
0xc9: {  	_ =	swait.ge @!p0 [sflag:s0], s1  }
0xca: {  	s1 =	ssub.s32 @!p0 $0x0, s1;
	[sflag:s0] =	ssyncset.done @!p0 $0x0  }
0xcb: {  	[sflag:s0] =	ssyncadd.s32 @!p0 s1  }
0xcc: {  	[bflag:$0x3] =	sbarrier.arrive $0xFFFF  }
0xcd: {  	_ =	shalt  }

// kernel: kernel.9.cloned.1.call-start
scs
__scs_entry_jumppad:
0x0: {  	(pc) =	sbr.rel $0x88, $3  }
0x1: {  	(tag) =	ssettag $0x0;
	lr =	simm.s32 $0x1  }
0x2: {  	[smem:$0x3F98] =	sst lr;
	_ =	strace $0xD0000000  }
0x3: {  	_ = 	snop  }
0x4: {  	_ = 	snop  }
0x5: {  	_ = 	snop  }
0x6: {  	_ = 	snop  }
0x7: {  	_ = 	snop  }
__scs_overlays_trampoline_lowered:
0x8: {  	[smem:$0x3FA7] =	sst s0  }
0x9: {  	[smem:$0x3FA8] =	sst s1  }
0xa: {  	[smem:$0x3FA9] =	sst s2  }
0xb: {  	[smem:$0x3FAA] =	sst s3  }
0xc: {  	[smem:$0x3FAB] =	sst s4  }
0xd: {  	[smem:$0x3FAC] =	sst s5  }
0xe: {  	[smem:$0x3FAD] =	sst s6  }
0xf: {  	[smem:$0x3FAE] =	sst s7  }
0x10: {  	[smem:$0x3FAF] =	sst s8  }
0x11: {  	[smem:$0x3FB0] =	sst s9;
	s0 =	simm.s32 @!p0 $0x0  }
0x12: {  	s1 =	sld [smem:$0x3F96];
	s0 =	simm.s32 @p0 $0x1  }
0x13: {  	[smem:$0x3FB1] =	sst s0;
	s0 =	simm.s32 @!p1 $0x0  }
0x14: {  	s2 =	sld [smem:$0x3F95];
	s0 =	simm.s32 @p1 $0x1  }
0x15: {  	[smem:$0x3FB2] =	sst s0;
	s0 =	simm.s32 @!p2 $0x0  }
0x16: {  	s3 =	sld [smem:$0x3FDB];
	s0 =	simm.s32 @p2 $0x1  }
0x17: {  	s4 =	simm.s32 $0x1BF5;
	[smem:$0x3FB4] =	sst s0  }
0x18: {  	s0 =	sld [smem:$0x3F97];
	_ =	swait.ge [sflag:s4], $0x0  }
0x19: {  	s7 =	sld [smem:$0x3F98]  }
0x1a: {  	s8 =	sadd.s32 $0xFFFFE003, lr  }
0x1b: {  	s9 =	sadd.s32 $0xFFFFFEF7, lr;
	s5 =	simm.s32 $0xFFFFFFFF;
	p2 =	slt.u32 s8, $0xFFFFF086  }
0x1c: {  	p1 =	slt.u32 s9, $0xF7A;
	s5 =	simm.s32 @!p2 $0x0  }
0x1d: {  	s5 =	simm.s32 @p1 $0x1;
	p0 =	seq.s32 s7, s2  }
0x1e: {  	s7 =	smul.u32 @!p0 $0xF7A, s2;
	p2 =	seq.s32 @!p0 s5, $0x0  }
0x1f: {  	s9 =	smul.u32 $0xF7A, s1;
	s8 =	simm.s32 @!p0 $0x1BF5;
	p2 =	por !p2, p0  }
0x20: {  	[sflag:s8] =	ssyncset.s32 @!p0 $0xFFFFF086;
	s6 =	sadd.s32 @!p0 s3, s7;
	s7 =	simm.s32 @!p0 $0x108  }
0x21: {  	s3 =	sadd.s32 s3, s9;
	s6 =	sadd.s32 @!p0 $0x88, s6;
	s7 =	simm.s32 @p2 $0x1082  }
0x22: {  	[simem:s7], [sflag:s8] =	dma.local @!p0 [hbm:s6], $0xF7A  }
0x23: {  	s9 =	sor.u32 $0xD0000000, s2;
	s6 =	simm.s32 $0x108;
	_ =	swait.ge @!p0 [sflag:s8], $0x0  }
0x24: {  	s3 =	sadd.s32 $0x88, s3;
	s6 =	simm.s32 @!p1 $0x1082;
	[sflag:s4] =	ssyncset.s32 $0xFFFFF086  }
0x25: {  	[simem:s6], [sflag:s4] =	dma.local [hbm:s3], $0xF7A  }
0x26: {  	[smem:$0x3F98] =	sst s1;
	(tag) =	ssettag s2;
	_ =	strace s9  }
0x27: {  	s1 =	sld [smem:$0x3FA8]  }
0x28: {  	s2 =	sld [smem:$0x3FA9]  }
0x29: {  	s4 =	sld [smem:$0x3FAB]  }
0x2a: {  	p0 =	seq.s32 s5, $0x0;
	s5 =	sld [smem:$0x3FAC]  }
0x2b: {  	s6 =	sld [smem:$0x3FAD]  }
0x2c: {  	s7 =	sld [smem:$0x3FAE]  }
0x2d: {  	s3 =	simm.s32 $0x108;
	s8 =	sld [smem:$0x3FAF]  }
0x2e: {  	s3 =	simm.s32 @!p0 $0x1082;
	s9 =	sld [smem:$0x3FB0]  }
0x2f: {  	lr =	sadd.s32 s0, s3;
	s0 =	sld [smem:$0x3FA7]  }
0x30: {  	s3 =	sld [smem:$0x3FAA]  }
0x31: {  	[smem:$0x3FB3] =	sst s10  }
0x32: {  	s10 =	sld [smem:$0x3FB1];
	_ =	sdelay $0x3  }
0x33: {  	p0 =	seq.s32 s10, $0x1;
	s10 =	sld [smem:$0x3FB3];
	_ =	sdelay $0x3  }
0x34: {  	[smem:$0x3FB3] =	sst s10  }
0x35: {  	s10 =	sld [smem:$0x3FB2];
	_ =	sdelay $0x3  }
0x36: {  	p1 =	seq.s32 s10, $0x1;
	s10 =	sld [smem:$0x3FB3];
	_ =	sdelay $0x3  }
0x37: {  	[smem:$0x3FB3] =	sst s10  }
0x38: {  	s10 =	sld [smem:$0x3FB4]  }
0x39: {  	_ = 	snop;
	(pc) =	sbr.ind lr, $3  }
0x3a: {  	_ = 	snop  }
0x3b: {  	_ = 	snop  }
0x3c: {  	p2 =	seq.s32 s10, $0x1;
	s10 =	sld [smem:$0x3FB3]  }
0x3d: {  	_ =	shalt  }
0x3e: {  	_ =	shalt  }
0x3f: {  	_ =	shalt  }
0x40: {  	_ =	shalt  }
0x41: {  	_ =	shalt  }
0x42: {  	_ =	shalt  }
0x43: {  	_ =	shalt  }
0x44: {  	_ =	shalt  }
0x45: {  	_ =	shalt  }
0x46: {  	_ =	shalt  }
0x47: {  	_ =	shalt  }
0x48: {  	_ =	shalt  }
0x49: {  	_ =	shalt  }
0x4a: {  	_ =	shalt  }
0x4b: {  	_ =	shalt  }
0x4c: {  	_ =	shalt  }
0x4d: {  	_ =	shalt  }
0x4e: {  	_ =	shalt  }
0x4f: {  	_ =	shalt  }
0x50: {  	_ =	shalt  }
0x51: {  	_ =	shalt  }
0x52: {  	_ =	shalt  }
0x53: {  	_ =	shalt  }
0x54: {  	_ =	shalt  }
0x55: {  	_ =	shalt  }
0x56: {  	_ =	shalt  }
0x57: {  	_ =	shalt  }
0x58: {  	_ =	shalt  }
0x59: {  	_ =	shalt  }
0x5a: {  	_ =	shalt  }
0x5b: {  	_ =	shalt  }
0x5c: {  	_ =	shalt  }
0x5d: {  	_ =	shalt  }
0x5e: {  	_ =	shalt  }
0x5f: {  	_ =	shalt  }
0x60: {  	_ =	shalt  }
0x61: {  	_ =	shalt  }
0x62: {  	_ =	shalt  }
0x63: {  	_ =	shalt  }
0x64: {  	_ =	shalt  }
0x65: {  	_ =	shalt  }
0x66: {  	_ =	shalt  }
0x67: {  	_ =	shalt  }
0x68: {  	_ =	shalt  }
0x69: {  	_ =	shalt  }
0x6a: {  	_ =	shalt  }
0x6b: {  	_ =	shalt  }
0x6c: {  	_ =	shalt  }
0x6d: {  	_ =	shalt  }
0x6e: {  	_ =	shalt  }
0x6f: {  	_ =	shalt  }
0x70: {  	_ =	shalt  }
0x71: {  	_ =	shalt  }
0x72: {  	_ =	shalt  }
0x73: {  	_ =	shalt  }
0x74: {  	_ =	shalt  }
0x75: {  	_ =	shalt  }
0x76: {  	_ =	shalt  }
0x77: {  	_ =	shalt  }
0x78: {  	_ =	shalt  }
0x79: {  	_ =	shalt  }
0x7a: {  	_ =	shalt  }
0x7b: {  	_ =	shalt  }
0x7c: {  	_ =	shalt  }
0x7d: {  	_ =	shalt  }
0x7e: {  	_ =	shalt  }
0x7f: {  	_ =	shalt  }
0x80: {  	_ =	shalt  }
0x81: {  	_ =	shalt  }
0x82: {  	_ =	shalt  }
0x83: {  	_ =	shalt  }
0x84: {  	_ =	shalt  }
0x85: {  	_ =	shalt  }
0x86: {  	_ =	shalt  }
0x87: {  	_ =	shalt  }
.Lfunc_end0:
.L_simem_size_0:
called_computation_lowered:
.L_overlay_start_0:
0x88: {  	s2 =	sld [smem:$0x3FD9]  }
0x89: {  	s3 =	sld [smem:$0x3FFE];
	_ =	sdelay $0x1  }
0x8a: {  	s1 =	srdreg.scid  }
0x8b: {  	s0 =	sand.u32 $0x1, s1  }
0x8c: {  	s17 =	sshll.u32 s0, $0xA;
	s2 =	sadd.s32 s3, s2  }
0x8d: {  	s2 =	sadd.s32 s2, s17  }
0x8e: {  	[smem:$0x3FBF] =	sst s2  }
0x8f: {  	_ = 	snop  }
0x90: {  	s2 =	sld [smem:$0x3FC8]  }
0x91: {  	s18 =	sld [smem:$0x3FC7]  }
0x92: {  	s4 =	sld [smem:$0x3FD0];
	(tm) =	ssettm $0x1  }
0x93: {  	s5 =	sld [smem:$0x3FFB];
	_ =	sdelay $0x3  }
0x94: {  	_ =	strace s5  }
0x95: {  	s5 =	sld [smem:$0x3FFC];
	_ =	sdelay $0x3  }
0x96: {  	_ =	strace s5  }
0x97: {  	s5 =	sld [smem:$0x3FFD];
	_ =	sdelay $0x3  }
0x98: {  	_ =	strace s5  }
0x99: {  	_ =	strace $0x8FFFFFFF  }
0x9a: {  	s19 =	sld [smem:$0x3FDB];
	_ =	sdelay $0x1  }
0x9b: {  	s6 =	simm.s32 $_scs_section_size  }
0x9c: {  	s7 =	simm.s32 $_size__tile_overlayer_lowered;
	s8 =	simm.s32 $_tile_overlayer_lowered  }
0x9d: {  	s22 =	simm.s32 $0x1BFF;
	s21 =	sshll.u32 s8, $0x1;
	s5 =	sadd.s32 s6, s19  }
0x9e: {  	s9 =	simm.s32 $0x0;
	s20 =	sshll.u32 s7, $0x1;
	s7 =	sadd.s32 s21, s5  }
0x9f: {  	[timem:s9], [sflag:s22] =	dma.local [hbm:s7], s20  }
0xa0: {  	_ =	swait.ge [sflag:s22], s20  }
0xa1: {  	s6 =	ssub.s32 $0x0, s20;
	[sflag:s22] =	ssyncset.done $0x0  }
0xa2: {  	[sflag:s22] =	ssyncadd.s32 s6;
	_ =	sdelay $0x1  }
0xa3: {  	s23 =	simm.s32 $0x1B8B  }
0xa4: {  	_ =	swait.ge [sflag:s23], $0x1  }
0xa5: {  	[sflag:s23] =	ssyncset.done $0x0  }
0xa6: {  	s25 =	simm.s32 $0x1B8E;
	s24 =	sld [smem:$0x3FFE];
	[sflag:s23] =	ssyncadd.s32 $0xFFFFFFFF  }
0xa7: {  	s26 =	simm.s32 $execute0_lowered;
	[smem:$0x3FD2] =	sst s25  }
0xa8: {  	s7 =	sshll.u32 s26, $0x1;
	_ =	strace $0x80000046;
	[dreg:$0x1] =	wrdreg $0xFFFFFFFF  }
0xa9: {  	s28 =	simm.s32 $_size_execute0_lowered;
	s5 =	sadd.s32 s5, s7;
	[dreg:$0x0] =	wrdreg $0x0  }
0xaa: {  	s7 =	sshll.u32 s28, $0x1;
	[dreg:$0x2] =	wrdreg s5  }
0xab: {  	[dreg:$0x3] =	wrdreg s7  }
0xac: {  	[dreg:$0x4] =	wrdreg $0xC0  }
0xad: {  	_ =	task [dreg:s9], $0x5FFFF  }
0xae: {  	[dreg:$0x1] =	wrdreg $0xFFFFFFFF  }
0xaf: {  	[dreg:$0x0] =	wrdreg $0x60  }
0xb0: {  	[dreg:$0x2] =	wrdreg s4  }
0xb1: {  	[dreg:$0x3] =	wrdreg s2  }
0xb2: {  	[dreg:$0x4] =	wrdreg s18  }
0xb3: {  	[dreg:$0x5] =	wrdreg s24  }
0xb4: {  	[dreg:$0x6] =	wrdreg $0x0  }
0xb5: {  	[dreg:$0x7] =	wrdreg $0x9  }
0xb6: {  	_ =	task.clear_ibuf [dreg:s9], $0x8FFFF;
	_ =	strace $0x90000046  }
0xb7: {  	s29 =	simm.s32 $0x9;
	_ =	strace $0x80000048  }
0xb8: {  	_ =	swait.ge [sflag:s29], $0x1  }
0xb9: {  	[sflag:s29] =	ssyncadd.s32 $0xFFFFFFFF  }
0xba: {  	_ =	strace $0x90000048  }
0xbb: {  	_ =	sfence  }
0xbc: {  	s30 =	sld [smem:$0x0];
	_ =	sdelay $0x2  }
0xbd: {  	s31 =	sshll.u32 s1, $0xD;
	s1 =	sshrl.u32 s1, $0x2  }
0xbe: {  	s3 =	sand.u32 $0x4000, s31;
	s1 =	sadd.s32 s1, s30  }
0xbf: {  	s0 =	sor.u32 s3, s0;
	s1 =	sshll.u32 s1, $0x11  }
0xc0: {  	s0 =	sor.u32 s1, s0  }
0xc1: {  	s0 =	sadd.s32 $0x8F2B, s0  }
0xc2: {  	[sflag:s0] =	ssyncadd.remote.s32 $0x1  }
0xc3: {  	_ =	sfence.sel $0xFFFF  }
0xc4: {  	[dreg:$0x0] =	wrdreg $0xFFFFFFFF;
	(pc) =	sbr.abs _section_cstart, $3  }
0xc5: {  	[dreg:$0x1] =	wrdreg $0xFFFFFFFF  }
0xc6: {  	_ =	task.clear_ibuf [dreg:s9], $0x2FFFF;
	_ =	strace $0x9FFFFFFF  }
0xc7: {  	(tm) =	ssettm $0x7FFFFFFF  }
tec
execute0_lowered:
.L_overlay_start_1:
0x0: {  	(tag) =	ssettag $0x1  }
0x1: {  	s1 =	rddreg [dreg:$0x0]  }
0x2: {  	s0 =	rddreg [dreg:$0x1]  }
0x3: {  	s3 =	rddreg [dreg:$0x2]  }
0x4: {  	s5 =	rddreg [dreg:$0x3]  }
0x5: {  	s2 =	rddreg [dreg:$0x4]  }
0x6: {  	s4 =	srdreg.scid;
	s12 =	stileid.u32;
	s28 =	simm.s32 $0x1  }
0x7: {  	s29 =	simm.s32 $0x2;
	s30 =	simm.s32 $0x3;
	s8 =	smul.u32 $0x13C00, s12  }
0x8: {  	s31 =	simm.s32 $0x4;
	s6 =	sand.u32 $0x1, s4;
	s10 =	smul.u32 $0x4F000, s12  }
0x9: {  	s4 =	simm.s32 $0x0;
	s9 =	sadd.s32 $0x3400, s5;
	s19 =	smul.u32 $0x4E20, s12  }
0xa: {  	s15 =	sshll.u32 s12, $0x1;
	s20 =	sshll.u32 s12, $0x6;
	s7 =	smul.u32 $0x13C000, s6  }
0xb: {  	[smem:$0x7FF] =	sst s4;
	s16 =	ssub.s32 $0x2, s6;
	s21 =	smul.u32 $0x2710, s6  }
0xc: {  	_ =	strace $0x80000047;
	[dreg:$0x6] =	wrdreg s9;
	s11 =	sshrl.u32 s16, $0x1  }
0xd: {  	s18 =	sshrl.u32 s10, $0x2;
	s7 =	sadd.s32 s8, s7;
	s8 =	sor.u32 s6, s15  }
0xe: {  	s17 =	ssub.s32 s16, s11;
	s9 =	sadd.s32 s18, s2;
	s6 =	sor.u32 $0x1C07, s20  }
0xf: {  	s24 =	sadd.s32 s21, s19;
	s16 =	simm.s32 $0x7;
	s18 =	simm.s32 $0x13D80  }
0x10: {  	s19 =	simm.s32 $0x80;
	s20 =	simm.s32 $0x13F00;
	s21 =	simm.s32 $0x13E00  }
0x11: {  	s7 =	sshrl.u32 s7, $0x3;
	s8 =	smul.u32 $0x2710, s8;
	s23 =	smax.u32 s17, $0x1  }
0x12: {  	s25 =	sshrl.u32 s24, $0x3;
	s26 =	sadd.s32 $0x100, s24;
	s17 =	simm.s32 $0x13C00  }
0x13: {  	s5 =	sadd.s32 s7, s5;
	[dreg:$0xa] =	wrdreg s23;
	s11 =	sadd.s32 s25, s3  }
0x14: {  	s12 =	sadd.s32 s25, s0;
	s7 =	sshrl.u32 s9, $0x3;
	s23 =	simm.s32 $0x17F00  }
0x15: {  	s8 =	sshrl.u32 s8, $0x3;
	s5 =	sadd.s32 $0x5C00, s5;
	[dreg:$0xb] =	wrdreg s7  }
0x16: {  	s25 =	simm.s32 $0x13D00;
	s8 =	sadd.s32 $0x4E0, s8;
	[dreg:$0x9] =	wrdreg s5  }
0x17: {  	s5 =	sadd.s32 $0x80, s24;
	s24 =	simm.s32 $0x13E80;
	s22 =	sadd.s32 s0, s8  }
0x18: {  	s8 =	sadd.s32 s3, s8;
	s5 =	sshrl.u32 s5, $0x3;
	[dreg:$0x7] =	wrdreg s22  }
0x19: {  	s0 =	simm.s32 $0x5;
	[dreg:$0x8] =	wrdreg s8;
	s8 =	sshrl.u32 s26, $0x3  }
0x1a: {  	s14 =	sadd.s32 s5, s3;
	s22 =	simm.s32 $0x13C80;
	s26 =	simm.s32 $0x1BF00  }
0x1b: {  	s13 =	sadd.s32 s8, s3;
	s3 =	simm.s32 $0x6;
	s8 =	simm.s32 $0x0  }
.LBB2_1:
0x1c: {  	s5 =	rddreg [dreg:$0x6]  }
0x1d: {  	[spmem:s7], [sflag:s6] =	dma.local [hbm:s5], $0x2780  }
0x1e: {  	_ =	swait.ge [sflag:s16], $0x2780  }
0x1f: {  	[sflag:s16] =	ssyncset.done $0x0  }
0x20: {  	[sflag:s16] =	ssyncadd.s32 $0xFFFFD880  }
0x21: {  	s15 =	smov.u32 s6;
	s6 =	sadd.s32 $0x0, s12;
	[bflag:$0x0] =	sbarrier.arrive $0xFFFF  }
0x22: {  	[tilespmem:s17], [sflag:$0x7] =	stream.linear.gather [hbm4b:s6+s4], $0x180, $0x38;
	[tilespmem:$0x1FF80] =	vst v63  }
0x23: {  	_ =	swait.ge [sflag:s16], $0x180  }
0x24: {  	[sflag:s16] =	ssyncset.done $0x0  }
0x25: {  	s7 =	sadd.s32 $0x0, s11;
	[sflag:s16] =	ssyncadd.s32 $0xFFFFFE80  }
0x26: {  	[tilespmem:s18], [sflag:$0x7] =	stream.linear.gather [hbm4b:s7+s4], $0x80, $0x38;
	[tilespmem:$0x1FF80] =	vst v63  }
0x27: {  	_ =	swait.ge [sflag:s16], $0x80  }
0x28: {  	[sflag:s16] =	ssyncset.done $0x0  }
0x29: {  	[sflag:s16] =	ssyncadd.s32 $0xFFFFFF80  }
0x2a: {  	[tilespmem:s20], [sflag:$0x1] =	stream.indirect.gather [hbm4b:s1+s19], $0x80, s17, s19, $0xb8;
	[tilespmem:$0x1FF80] =	vst v63  }
0x2b: {  	s9 =	sadd.s32 $0x0, s14  }
0x2c: {  	[tilespmem:s21], [sflag:$0x7] =	stream.linear.gather [hbm4b:s9+s4], $0x80, $0x38;
	[tilespmem:$0x1FF80] =	vst v63  }
0x2d: {  	_ =	swait.ge [sflag:s16], $0x80  }
0x2e: {  	[sflag:s16] =	ssyncset.done $0x0  }
0x2f: {  	[sflag:s16] =	ssyncadd.s32 $0xFFFFFF80  }
0x30: {  	[tilespmem:s23], [sflag:$0x2] =	stream.indirect.gather [hbm4b:s1+s19], $0x80, s22, s19, $0xb8;
	[tilespmem:$0x1FF80] =	vst v63  }
0x31: {  	s10 =	sadd.s32 $0x0, s13  }
0x32: {  	[tilespmem:s24], [sflag:$0x7] =	stream.linear.gather [hbm4b:s10+s4], $0x80, $0x38;
	[tilespmem:$0x1FF80] =	vst v63  }
0x33: {  	_ =	swait.ge [sflag:s16], $0x80  }
0x34: {  	[sflag:s16] =	ssyncset.done $0x0  }
0x35: {  	[sflag:s16] =	ssyncadd.s32 $0xFFFFFF80  }
0x36: {  	[tilespmem:s26], [sflag:$0x3] =	stream.indirect.gather [hbm4b:s1+s19], $0x80, s25, s19, $0xb8;
	[tilespmem:$0x1FF80] =	vst v63  }
0x37: {  	_ =	swait.ge [sflag:s28], $0x4000  }
0x38: {  	[sflag:s28] =	ssyncset.done $0x0  }
0x39: {  	[sflag:s28] =	ssyncadd.s32 $0xFFFFC000  }
0x3a: {  	[spmem:s2] =	stream.indirect.scatter.add.f32 [tilespmem:s20], [sflag:$0x4], $0x80, s18, s19, $0xb8;
	[tilespmem:$0x1FF80] =	vst v63  }
0x3b: {  	_ =	swait.ge [sflag:s29], $0x4000  }
0x3c: {  	[sflag:s29] =	ssyncset.done $0x0  }
0x3d: {  	[sflag:s29] =	ssyncadd.s32 $0xFFFFC000  }
0x3e: {  	[spmem:s2] =	stream.indirect.scatter.add.f32 [tilespmem:s23], [sflag:$0x5], $0x80, s21, s19, $0xb8;
	[tilespmem:$0x1FF80] =	vst v63  }
0x3f: {  	_ =	swait.ge [sflag:s30], $0x4000  }
0x40: {  	[sflag:s30] =	ssyncset.done $0x0  }
0x41: {  	[sflag:s30] =	ssyncadd.s32 $0xFFFFC000  }
0x42: {  	[spmem:s2] =	stream.indirect.scatter.add.f32 [tilespmem:s26], [sflag:$0x6], $0x80, s24, s19, $0xb8;
	[tilespmem:$0x1FF80] =	vst v63  }
0x43: {  	_ =	swait.ge [sflag:s31], $0x4000  }
0x44: {  	[sflag:s31] =	ssyncset.done $0x0  }
0x45: {  	[sflag:s31] =	ssyncadd.s32 $0xFFFFC000  }
0x46: {  	_ =	swait.ge [sflag:s0], $0x4000  }
0x47: {  	[sflag:s0] =	ssyncset.done $0x0  }
0x48: {  	[sflag:s0] =	ssyncadd.s32 $0xFFFFC000  }
0x49: {  	_ =	swait.ge [sflag:s3], $0x4000  }
0x4a: {  	s9 =	simm.s32 $0x30;
	s10 =	simm.s32 $0x60;
	[sflag:s3] =	ssyncset.done $0x0  }
.LBB2_2:
0x4b: {  	s7 =	sadd.s32 s9, s12  }
0x4c: {  	[sflag:s3] =	ssyncadd.s32 $0xFFFFC000;
	s6 =	smov.u32 s10;
	s5 =	sadd.s32 $0x30, s10  }
0x4d: {  	[tilespmem:s17], [sflag:$0x7] =	stream.linear.gather [hbm4b:s7+s4], $0x180, $0x38;
	[tilespmem:$0x1FF80] =	vst v63  }
0x4e: {  	p0 =	sne.s32 s10, $0x4B0;
	_ =	swait.ge [sflag:s16], $0x180  }
0x4f: {  	[sflag:s16] =	ssyncset.done $0x0  }
0x50: {  	s7 =	sadd.s32 s9, s11;
	[sflag:s16] =	ssyncadd.s32 $0xFFFFFE80  }
0x51: {  	[tilespmem:s18], [sflag:$0x7] =	stream.linear.gather [hbm4b:s7+s4], $0x80, $0x38;
	[tilespmem:$0x1FF80] =	vst v63  }
0x52: {  	_ =	swait.ge [sflag:s16], $0x80  }
0x53: {  	[sflag:s16] =	ssyncset.done $0x0  }
0x54: {  	[sflag:s16] =	ssyncadd.s32 $0xFFFFFF80  }
0x55: {  	[tilespmem:s20], [sflag:$0x1] =	stream.indirect.gather [hbm4b:s1+s19], $0x80, s17, s19, $0xb8;
	[tilespmem:$0x1FF80] =	vst v63  }
0x56: {  	s7 =	sadd.s32 s9, s14  }
0x57: {  	[tilespmem:s21], [sflag:$0x7] =	stream.linear.gather [hbm4b:s7+s4], $0x80, $0x38;
	[tilespmem:$0x1FF80] =	vst v63  }
0x58: {  	_ =	swait.ge [sflag:s16], $0x80  }
0x59: {  	[sflag:s16] =	ssyncset.done $0x0  }
0x5a: {  	[sflag:s16] =	ssyncadd.s32 $0xFFFFFF80  }
0x5b: {  	[tilespmem:s23], [sflag:$0x2] =	stream.indirect.gather [hbm4b:s1+s19], $0x80, s22, s19, $0xb8;
	[tilespmem:$0x1FF80] =	vst v63  }
0x5c: {  	s7 =	sadd.s32 s9, s13;
	s9 =	smov.u32 s6  }
0x5d: {  	[tilespmem:s24], [sflag:$0x7] =	stream.linear.gather [hbm4b:s7+s4], $0x80, $0x38;
	[tilespmem:$0x1FF80] =	vst v63  }
0x5e: {  	_ =	swait.ge [sflag:s16], $0x80  }
0x5f: {  	[sflag:s16] =	ssyncset.done $0x0  }
0x60: {  	[sflag:s16] =	ssyncadd.s32 $0xFFFFFF80  }
0x61: {  	[tilespmem:s26], [sflag:$0x3] =	stream.indirect.gather [hbm4b:s1+s19], $0x80, s25, s19, $0xb8;
	[tilespmem:$0x1FF80] =	vst v63  }
0x62: {  	_ =	swait.ge [sflag:s28], $0x4000  }
0x63: {  	[sflag:s28] =	ssyncset.done $0x0  }
0x64: {  	[sflag:s28] =	ssyncadd.s32 $0xFFFFC000  }
0x65: {  	[spmem:s2] =	stream.indirect.scatter.add.f32 [tilespmem:s20], [sflag:$0x4], $0x80, s18, s19, $0xb8;
	[tilespmem:$0x1FF80] =	vst v63  }
0x66: {  	_ =	swait.ge [sflag:s29], $0x4000  }
0x67: {  	[sflag:s29] =	ssyncset.done $0x0  }
0x68: {  	[sflag:s29] =	ssyncadd.s32 $0xFFFFC000  }
0x69: {  	[spmem:s2] =	stream.indirect.scatter.add.f32 [tilespmem:s23], [sflag:$0x5], $0x80, s21, s19, $0xb8;
	[tilespmem:$0x1FF80] =	vst v63  }
0x6a: {  	_ =	swait.ge [sflag:s30], $0x4000  }
0x6b: {  	[sflag:s30] =	ssyncset.done $0x0  }
0x6c: {  	[sflag:s30] =	ssyncadd.s32 $0xFFFFC000  }
0x6d: {  	[spmem:s2] =	stream.indirect.scatter.add.f32 [tilespmem:s26], [sflag:$0x6], $0x80, s24, s19, $0xb8;
	[tilespmem:$0x1FF80] =	vst v63  }
0x6e: {  	_ =	swait.ge [sflag:s31], $0x4000  }
0x6f: {  	[sflag:s31] =	ssyncset.done $0x0  }
0x70: {  	[sflag:s31] =	ssyncadd.s32 $0xFFFFC000  }
.Ltmp0:
0x71: {  	_ =	swait.ge [sflag:s0], $0x4000;
	(pc) =	sbr.rel @p0 .LBB2_2-.Ltmp0, $4  }
0x72: {  	[sflag:s0] =	ssyncset.done $0x0  }
0x73: {  	[sflag:s0] =	ssyncadd.s32 $0xFFFFC000  }
0x74: {  	_ =	swait.ge [sflag:s3], $0x4000  }
0x75: {  	s10 =	smov.u32 s5;
	[sflag:s3] =	ssyncset.done $0x0  }
0x76: {  	s5 =	sadd.s32 s9, s12;
	[sflag:s3] =	ssyncadd.s32 $0xFFFFC000  }
0x77: {  	[tilespmem:s17], [sflag:$0x7] =	stream.linear.gather [hbm4b:s5+s4], $0x180, $0x38;
	[tilespmem:$0x1FF80] =	vst v63  }
0x78: {  	_ =	swait.ge [sflag:s16], $0x180  }
0x79: {  	[sflag:s16] =	ssyncset.done $0x0  }
0x7a: {  	s6 =	sadd.s32 s9, s11;
	[sflag:s16] =	ssyncadd.s32 $0xFFFFFE80  }
0x7b: {  	[tilespmem:s18], [sflag:$0x7] =	stream.linear.gather [hbm4b:s6+s4], $0x80, $0x38;
	[tilespmem:$0x1FF80] =	vst v63  }
0x7c: {  	_ =	swait.ge [sflag:s16], $0x80  }
0x7d: {  	[sflag:s16] =	ssyncset.done $0x0  }
0x7e: {  	[sflag:s16] =	ssyncadd.s32 $0xFFFFFF80  }
0x7f: {  	[tilespmem:s20], [sflag:$0x1] =	stream.indirect.gather [hbm4b:s1+s19], $0x80, s17, s19, $0xb8;
	[tilespmem:$0x1FF80] =	vst v63  }
0x80: {  	s7 =	sadd.s32 s9, s14  }
0x81: {  	[tilespmem:s21], [sflag:$0x7] =	stream.linear.gather [hbm4b:s7+s4], $0x80, $0x38;
	[tilespmem:$0x1FF80] =	vst v63  }
0x82: {  	_ =	swait.ge [sflag:s16], $0x80  }
0x83: {  	[sflag:s16] =	ssyncset.done $0x0  }
0x84: {  	[sflag:s16] =	ssyncadd.s32 $0xFFFFFF80  }
0x85: {  	[tilespmem:s23], [sflag:$0x2] =	stream.indirect.gather [hbm4b:s1+s19], $0x80, s22, s19, $0xb8;
	[tilespmem:$0x1FF80] =	vst v63  }
0x86: {  	s10 =	sadd.s32 s9, s13  }
0x87: {  	[tilespmem:s24], [sflag:$0x7] =	stream.linear.gather [hbm4b:s10+s4], $0x80, $0x38;
	[tilespmem:$0x1FF80] =	vst v63  }
0x88: {  	_ =	swait.ge [sflag:s16], $0x80  }
0x89: {  	[sflag:s16] =	ssyncset.done $0x0  }
0x8a: {  	[sflag:s16] =	ssyncadd.s32 $0xFFFFFF80  }
0x8b: {  	[tilespmem:s26], [sflag:$0x3] =	stream.indirect.gather [hbm4b:s1+s19], $0x80, s25, s19, $0xb8;
	[tilespmem:$0x1FF80] =	vst v63  }
0x8c: {  	_ =	swait.ge [sflag:s28], $0x4000  }
0x8d: {  	[sflag:s28] =	ssyncset.done $0x0  }
0x8e: {  	[sflag:s28] =	ssyncadd.s32 $0xFFFFC000  }
0x8f: {  	[spmem:s2] =	stream.indirect.scatter.add.f32 [tilespmem:s20], [sflag:$0x4], $0x80, s18, s19, $0xb8;
	[tilespmem:$0x1FF80] =	vst v63  }
0x90: {  	_ =	swait.ge [sflag:s29], $0x4000  }
0x91: {  	[sflag:s29] =	ssyncset.done $0x0  }
0x92: {  	[sflag:s29] =	ssyncadd.s32 $0xFFFFC000  }
0x93: {  	[spmem:s2] =	stream.indirect.scatter.add.f32 [tilespmem:s23], [sflag:$0x5], $0x80, s21, s19, $0xb8;
	[tilespmem:$0x1FF80] =	vst v63  }
0x94: {  	_ =	swait.ge [sflag:s30], $0x4000  }
0x95: {  	[sflag:s30] =	ssyncset.done $0x0  }
0x96: {  	[sflag:s30] =	ssyncadd.s32 $0xFFFFC000  }
0x97: {  	[spmem:s2] =	stream.indirect.scatter.add.f32 [tilespmem:s26], [sflag:$0x6], $0x80, s24, s19, $0xb8;
	[tilespmem:$0x1FF80] =	vst v63  }
0x98: {  	_ =	swait.ge [sflag:s31], $0x4000  }
0x99: {  	[sflag:s31] =	ssyncset.done $0x0  }
0x9a: {  	[sflag:s31] =	ssyncadd.s32 $0xFFFFC000  }
0x9b: {  	_ =	swait.ge [sflag:s0], $0x4000  }
0x9c: {  	[sflag:s0] =	ssyncset.done $0x0  }
0x9d: {  	[sflag:s0] =	ssyncadd.s32 $0xFFFFC000  }
0x9e: {  	_ =	swait.ge [sflag:s3], $0x4000  }
0x9f: {  	[sflag:s3] =	ssyncset.done $0x0  }
0xa0: {  	s6 =	rddreg [dreg:$0x7];
	[sflag:s3] =	ssyncadd.s32 $0xFFFFC000  }
0xa1: {  	[tilespmem:s17], [sflag:$0x7] =	stream.linear.gather [hbm4b:s6+s4], $0x10, $0x38;
	[tilespmem:$0x1FF80] =	vst v63  }
0xa2: {  	_ =	swait.ge [sflag:s16], $0x10  }
0xa3: {  	[sflag:s16] =	ssyncset.done $0x0  }
0xa4: {  	s6 =	simm.s32 $0x1FF00;
	s7 =	rddreg [dreg:$0x8];
	[sflag:s16] =	ssyncadd.s32 $0xFFFFFFF0  }
0xa5: {  	[tilespmem:s6], [sflag:$0x7] =	stream.linear.gather [hbm4b:s7+s4], $0x10, $0x38;
	[tilespmem:$0x1FF80] =	vst v63  }
0xa6: {  	_ =	swait.ge [sflag:s16], $0x10  }
0xa7: {  	[sflag:s16] =	ssyncset.done $0x0  }
0xa8: {  	s9 =	simm.s32 $0x10;
	[sflag:s16] =	ssyncadd.s32 $0xFFFFFFF0  }
0xa9: {  	[tilespmem:s20], [sflag:$0x1] =	stream.indirect.gather [hbm4b:s1+s9], $0x80, s17, s9, $0xb8;
	[tilespmem:$0x1FF80] =	vst v63  }
0xaa: {  	_ =	swait.ge [sflag:s28], $0x800  }
0xab: {  	[sflag:s28] =	ssyncset.done $0x0  }
0xac: {  	[sflag:s28] =	ssyncadd.s32 $0xFFFFF800  }
0xad: {  	[spmem:s2] =	stream.indirect.scatter.add.f32 [tilespmem:s20], [sflag:$0x7], $0x80, s6, s9, $0xb8;
	[tilespmem:$0x1FF80] =	vst v63  }
0xae: {  	_ =	swait.ge [sflag:s16], $0x800  }
0xaf: {  	[sflag:s16] =	ssyncset.done $0x0  }
0xb0: {  	[sflag:s16] =	ssyncadd.s32 $0xFFFFF800  }
0xb1: {  	[bflag:$0x0] =	sbarrier.arrive $0xFFFF  }
0xb2: {  	s10 =	rddreg [dreg:$0x9]  }
0xb3: {  	s7 =	rddreg [dreg:$0xb]  }
0xb4: {  	[hbm:s10], [sflag:s15] =	dma.local [spmem:s7], $0x2780  }
0xb5: {  	_ =	swait.ge [sflag:s16], $0x2780  }
0xb6: {  	s8 =	sadd.s32 $0x1, s8;
	s6 =	smov.u32 s15;
	s15 =	rddreg [dreg:$0xa]  }
0xb7: {  	p0 =	sne.s32 s8, s15  }
.Ltmp1:
0xb8: {  	_ = 	snop;
	(pc) =	sbr.rel @p0 .LBB2_1-.Ltmp1, $3  }
0xb9: {  	_ =	sdelay $0x1  }
0xba: {  	[sflag:s16] =	ssyncset.done $0x0  }
0xbb: {  	[sflag:s16] =	ssyncadd.s32 $0xFFFFD880  }
0xbc: {  	_ =	sfence.sel $0x180000  }
0xbd: {  	[bflag:$0x0] =	sbarrier.arrive $0xFFFF  }
0xbe: {  	_ =	strace $0x90000047  }
0xbf: {  	s0 =	stileid.u32;
	[bflag:$0x2] =	sbarrier.arrive $0xFFFF  }
0xc0: {  	p0 =	sne.s32 s0, $0x0;
	s0 =	rddreg [dreg:$0x5]  }
0xc1: {  	s0 =	sadd.s32 @!p0 $0x100000, s0  }
0xc2: {  	[sflag:s0] =	ssyncadd.tile.s32 @!p0 $0x1;
	_ =	shalt  }
.Lfunc_end2:
_tile_overlayer_lowered:
.L_overlay_start_2:
0xc3: {  	(tag) =	ssettag $0x2  }
0xc4: {  	s0 =	rddreg [dreg:$0x0];
	s2 =	stileid.u32  }
0xc5: {  	s1 =	rddreg [dreg:$0x1];
	p0 =	sne.s32 s2, $0x0  }
0xc6: {  	s3 =	rddreg [dreg:$0x2];
	[bflag:$0x3] =	sbarrier.arrive $0xFFFF;
	s2 =	simm.s32 @!p0 $0x1C07  }
0xc7: {  	[timem:s3], [sflag:s2] =	dma.local @!p0 [hbm:s0], s1  }
0xc8: {  	s0 =	simm.s32 @!p0 $0x7  }
0xc9: {  	_ =	swait.ge @!p0 [sflag:s0], s1  }
0xca: {  	s1 =	ssub.s32 @!p0 $0x0, s1;
	[sflag:s0] =	ssyncset.done @!p0 $0x0  }
0xcb: {  	[sflag:s0] =	ssyncadd.s32 @!p0 s1  }
0xcc: {  	[bflag:$0x3] =	sbarrier.arrive $0xFFFF  }
0xcd: {  	_ =	shalt  }

</sc_bundles>
